<compile_context>
chip_gen: v7x
topology: tpu7x:2x2x1
jax: 0.10.2.dev20260603
libtpu: 0.0.44.dev20260713+nightly
codegen_flags: <defaults>
</compile_context>

<pallas_src>
import functools

import jax
import jax.numpy as jnp
from jax import lax
from jax.experimental import pallas as pl
from jax.experimental.pallas import tpu as pltpu
from jax.experimental.pallas import tpu_sc as plsc

_D = 128
_NC, _NS = 2, 16
_NW = _NC * _NS
_CHUNK = 128
_NBUF = 6


def _sc_add_pe(xf, pos, pe):
    n = pos.shape[0]
    rows_per_tile = n // _NW
    n_chunks = rows_per_tile // _CHUNK

    mesh = plsc.VectorSubcoreMesh(
        core_axis_name="c", subcore_axis_name="s",
        num_cores=_NC, num_subcores=_NS)

    @functools.partial(
        pl.kernel,
        out_type=jax.ShapeDtypeStruct((n, _D), jnp.float32),
        mesh=mesh,
        compiler_params=pltpu.CompilerParams(needs_layout_passes=False),
        scratch_types=[
            [pltpu.VMEM((_CHUNK, _D), jnp.float32) for _ in range(_NBUF)],
            [pltpu.VMEM((_CHUNK,), jnp.int32) for _ in range(_NBUF)],
            [pltpu.SemaphoreType.DMA for _ in range(_NBUF)],
            [pltpu.SemaphoreType.DMA for _ in range(_NBUF)],
            [pltpu.SemaphoreType.DMA for _ in range(_NBUF)],
            [pltpu.SemaphoreType.DMA for _ in range(_NBUF)],
            pltpu.VMEM_SHARED((365, _D), jnp.float32),
            pltpu.SemaphoreType.DMA,
        ],
    )
    def k(x_hbm, pos_hbm, pe_hbm, out_hbm,
          bufs, poss, isems, psems, gsems, osems, pe_sh, pe_sem):
        wid = lax.axis_index("s") * _NC + lax.axis_index("c")
        base = wid * rows_per_tile

        @pl.when(lax.axis_index("s") == 0)
        def _():
            pltpu.async_copy(pe_hbm, pe_sh, pe_sem).wait()

        plsc.subcore_barrier()

        def start_in(c, b):
            r0 = base + c * _CHUNK
            pltpu.make_async_copy(
                x_hbm.at[pl.ds(r0, _CHUNK)], bufs[b], isems[b]).start()
            pltpu.make_async_copy(
                pos_hbm.at[pl.ds(r0, _CHUNK)], poss[b], psems[b]).start()

        def wait_in(b):
            pltpu.make_async_copy(
                x_hbm.at[pl.ds(base, _CHUNK)], bufs[b], isems[b]).wait()
            pltpu.make_async_copy(
                pos_hbm.at[pl.ds(base, _CHUNK)], poss[b], psems[b]).wait()

        def start_gather(b):
            pltpu.async_copy(pe_sh.at[poss[b]], bufs[b], gsems[b], add=True)

        def wait_gather(b):
            pltpu.make_async_copy(pe_sh.at[poss[b]], bufs[b], gsems[b]).wait()

        def wait_out(b):
            pltpu.make_async_copy(
                bufs[b], out_hbm.at[pl.ds(base, _CHUNK)], osems[b]).wait()

        for b in range(_NBUF):
            start_in(b, b)
        for c in range(2):
            wait_in(c)
            start_gather(c)

        def body(c5, carry):
            for b in range(_NBUF):
                c = c5 * _NBUF + b
                bn = (b + 2) % _NBUF

                @pl.when(c + 2 < n_chunks)
                def _():
                    wait_in(bn)
                    start_gather(bn)

                wait_gather(b)
                pltpu.make_async_copy(
                    bufs[b],
                    out_hbm.at[pl.ds(base + c * _CHUNK, _CHUNK)],
                    osems[b]).start()

                br = (b + _NBUF - 1) % _NBUF

                @pl.when((c >= 1) & (c + _NBUF - 1 < n_chunks))
                def _():
                    wait_out(br)
                    start_in(c + _NBUF - 1, br)
            return carry

        n_trips = n_chunks // _NBUF
        lax.fori_loop(0, n_trips, body, 0)
        for c in range(n_trips * _NBUF, n_chunks):
            b = c % _NBUF
            wait_gather(b)
            pltpu.make_async_copy(
                bufs[b],
                out_hbm.at[pl.ds(base + c * _CHUNK, _CHUNK)],
                osems[b]).start()
        for b in range(_NBUF):
            wait_out(b)

    return k(xf, pos, pe)


def kernel(x, positions, pe):
    b, s, d = x.shape
    out = _sc_add_pe(x.reshape(b * s, d), positions.reshape(b * s), pe)
    return out.reshape(b, s, d)

# --- scband reference (transcript-rebuilt; emitter-appended) ---
"""Pipeline reference for scband-positional-encoding-80659485819003 (READ-ONLY COPY).

The authoritative reference and input builder live on the scoring server;
editing this copy changes nothing except your own understanding.
"""

import jax, jax.numpy as jnp
import numpy as np
import math

D_MODEL = 128
MAX_LEN = 365
BATCH = 1024
SEQ = 200


def _make_pe(max_len=MAX_LEN, d_model=D_MODEL):
    position = np.arange(max_len, dtype=np.float32)[:, None]
    div_term = np.exp(np.arange(0, d_model, 2, dtype=np.float32) * (-math.log(10000.0) / d_model))
    pe = np.zeros((max_len, d_model), dtype=np.float32)
    pe[:, 0::2] = np.sin(position * div_term)
    pe[:, 1::2] = np.cos(position * div_term)
    return jnp.asarray(pe)


def setup_inputs(seed: int = 0) -> dict:
    key = jax.random.key(seed)
    k1, k2 = jax.random.split(key)
    x = jax.random.normal(k1, (BATCH, SEQ, D_MODEL), dtype=jnp.float32)
    positions = jax.random.randint(k2, (BATCH, SEQ), 0, MAX_LEN, dtype=jnp.int32)
    pe = _make_pe()
    return {"x": x, "positions": positions, "pe": pe}


def reference(x, positions, pe):
    # pos_enc_opt == 'obs_aq_date': gather pe rows by acquisition-date positions.
    # Padded entries are marked with -1 in the original module; they are skipped
    # (x left unchanged). Vectorized equivalent of the per-batch-element loop.
    mask = positions != -1
    safe_pos = jnp.where(mask, positions, 0)
    pos_enc = jnp.take(pe, safe_pos, axis=0)
    x = x + jnp.where(mask[..., None], pos_enc, jnp.float32(0.0))
    # dropout p=0.0 -> identity (eval-mode equivalent)
    return x

if __name__ == "__main__":
    import jax
    _d = setup_inputs()
    print(jax.jit(kernel)(*tuple(_d.values())))

</pallas_src>

<mosaic_0001>
#map = affine_map<(d0, d1) -> (0, 0)>
#map1 = affine_map<(d0, d1) -> (0)>
module attributes {stable_mosaic.version = 14 : i64} {
  func.func @k(%arg0: i32, %arg1: i32, %arg2: memref<204800x128xf32, #tpu.memory_space<hbm>>, %arg3: memref<204800xi32, #tpu.memory_space<hbm>>, %arg4: memref<365x128xf32, #tpu.memory_space<hbm>>, %arg5: memref<204800x128xf32, #tpu.memory_space<hbm>>, %arg6: memref<128x128xf32, #tpu.memory_space<vmem>>, %arg7: memref<128x128xf32, #tpu.memory_space<vmem>>, %arg8: memref<128x128xf32, #tpu.memory_space<vmem>>, %arg9: memref<128x128xf32, #tpu.memory_space<vmem>>, %arg10: memref<128x128xf32, #tpu.memory_space<vmem>>, %arg11: memref<128x128xf32, #tpu.memory_space<vmem>>, %arg12: memref<128xi32, #tpu.memory_space<vmem>>, %arg13: memref<128xi32, #tpu.memory_space<vmem>>, %arg14: memref<128xi32, #tpu.memory_space<vmem>>, %arg15: memref<128xi32, #tpu.memory_space<vmem>>, %arg16: memref<128xi32, #tpu.memory_space<vmem>>, %arg17: memref<128xi32, #tpu.memory_space<vmem>>, %arg18: memref<!tpu.dma_semaphore, #tpu.memory_space<semaphore_mem>>, %arg19: memref<!tpu.dma_semaphore, #tpu.memory_space<semaphore_mem>>, %arg20: memref<!tpu.dma_semaphore, #tpu.memory_space<semaphore_mem>>, %arg21: memref<!tpu.dma_semaphore, #tpu.memory_space<semaphore_mem>>, %arg22: memref<!tpu.dma_semaphore, #tpu.memory_space<semaphore_mem>>, %arg23: memref<!tpu.dma_semaphore, #tpu.memory_space<semaphore_mem>>, %arg24: memref<!tpu.dma_semaphore, #tpu.memory_space<semaphore_mem>>, %arg25: memref<!tpu.dma_semaphore, #tpu.memory_space<semaphore_mem>>, %arg26: memref<!tpu.dma_semaphore, #tpu.memory_space<semaphore_mem>>, %arg27: memref<!tpu.dma_semaphore, #tpu.memory_space<semaphore_mem>>, %arg28: memref<!tpu.dma_semaphore, #tpu.memory_space<semaphore_mem>>, %arg29: memref<!tpu.dma_semaphore, #tpu.memory_space<semaphore_mem>>, %arg30: memref<!tpu.dma_semaphore, #tpu.memory_space<semaphore_mem>>, %arg31: memref<!tpu.dma_semaphore, #tpu.memory_space<semaphore_mem>>, %arg32: memref<!tpu.dma_semaphore, #tpu.memory_space<semaphore_mem>>, %arg33: memref<!tpu.dma_semaphore, #tpu.memory_space<semaphore_mem>>, %arg34: memref<!tpu.dma_semaphore, #tpu.memory_space<semaphore_mem>>, %arg35: memref<!tpu.dma_semaphore, #tpu.memory_space<semaphore_mem>>, %arg36: memref<!tpu.dma_semaphore, #tpu.memory_space<semaphore_mem>>, %arg37: memref<!tpu.dma_semaphore, #tpu.memory_space<semaphore_mem>>, %arg38: memref<!tpu.dma_semaphore, #tpu.memory_space<semaphore_mem>>, %arg39: memref<!tpu.dma_semaphore, #tpu.memory_space<semaphore_mem>>, %arg40: memref<!tpu.dma_semaphore, #tpu.memory_space<semaphore_mem>>, %arg41: memref<!tpu.dma_semaphore, #tpu.memory_space<semaphore_mem>>, %arg42: memref<365x128xf32, #tpu.memory_space<vmem_shared>>, %arg43: memref<!tpu.dma_semaphore, #tpu.memory_space<semaphore_mem>>) attributes {dimension_semantics = [#tpu.dimension_semantics<core_parallel>, #tpu.dimension_semantics<subcore_parallel>], iteration_bounds = array<i64: 2, 16>, scalar_prefetch = 0 : i64, scratch_operands = 38 : i64, tpu.core_type = #tpu.core_type<sc_vector_subcore>, window_params = [{transform_indices = #map}, {transform_indices = #map1}, {transform_indices = #map}, {transform_indices = #map}]} {
    %mul3A = arith.constant 2 : i32
    %mul3A_0 = arith.muli %arg1, %mul3A : i32
    %add3A = arith.addi %mul3A_0, %arg0 : i32
    %mul3A_1 = arith.constant 6400 : i32
    %mul3A_2 = arith.muli %add3A, %mul3A_1 : i32
    %eq3A = arith.constant 0 : i32
    %eq3A_3 = arith.cmpi eq, %arg1, %eq3A : i32
    %convert_element_type3A = arith.extui %eq3A_3 : i1 to i32
    %cond3A = arith.constant 0 : i32
    %cond3A_4 = arith.cmpi ne, %convert_element_type3A, %cond3A : i32
    scf.if %cond3A_4 {
      tpu.enqueue_dma source(%arg4 : memref<365x128xf32, #tpu.memory_space<hbm>>) target(%arg42 : memref<365x128xf32, #tpu.memory_space<vmem_shared>>) target_semaphore(%arg43 : memref<!tpu.dma_semaphore, #tpu.memory_space<semaphore_mem>>)
      tpu.wait_dma2 semaphore(%arg43 : memref<!tpu.dma_semaphore, #tpu.memory_space<semaphore_mem>>) src(%arg4 : memref<365x128xf32, #tpu.memory_space<hbm>>) dst(%arg42 : memref<365x128xf32, #tpu.memory_space<vmem_shared>>)
    } else {
    }
    %barrier3A = arith.constant 0 : index
    tpu.barrier barrier_id(%barrier3A)
    %add3A_5 = arith.constant 0 : i32
    %add3A_6 = arith.addi %mul3A_2, %add3A_5 : i32
    %dma_start3A = arith.constant 0 : i32
    %dma_start3A_7 = tpu.memref_slice %arg2[%add3A_6, %dma_start3A] : memref<204800x128xf32, #tpu.memory_space<hbm>> -> memref<128x128xf32, #tpu.memory_space<hbm>>
    %dma_start3A_8 = arith.constant 0 : i32
    %dma_start3A_9 = tpu.memref_slice %arg2[%add3A_6, %dma_start3A_8] : memref<204800x128xf32, #tpu.memory_space<hbm>> -> memref<128x128xf32, #tpu.memory_space<hbm>>
    tpu.enqueue_dma source(%dma_start3A_9 : memref<128x128xf32, #tpu.memory_space<hbm>>) target(%arg6 : memref<128x128xf32, #tpu.memory_space<vmem>>) target_semaphore(%arg18 : memref<!tpu.dma_semaphore, #tpu.memory_space<semaphore_mem>>)
    %dma_start3A_10 = tpu.memref_slice %arg3[%add3A_6] : memref<204800xi32, #tpu.memory_space<hbm>> -> memref<128xi32, #tpu.memory_space<hbm>>
    %dma_start3A_11 = tpu.memref_slice %arg3[%add3A_6] : memref<204800xi32, #tpu.memory_space<hbm>> -> memref<128xi32, #tpu.memory_space<hbm>>
    tpu.enqueue_dma source(%dma_start3A_11 : memref<128xi32, #tpu.memory_space<hbm>>) target(%arg12 : memref<128xi32, #tpu.memory_space<vmem>>) target_semaphore(%arg24 : memref<!tpu.dma_semaphore, #tpu.memory_space<semaphore_mem>>)
    %add3A_12 = arith.constant 128 : i32
    %add3A_13 = arith.addi %mul3A_2, %add3A_12 : i32
    %dma_start3A_14 = arith.constant 0 : i32
    %dma_start3A_15 = tpu.memref_slice %arg2[%add3A_13, %dma_start3A_14] : memref<204800x128xf32, #tpu.memory_space<hbm>> -> memref<128x128xf32, #tpu.memory_space<hbm>>
    %dma_start3A_16 = arith.constant 0 : i32
    %dma_start3A_17 = tpu.memref_slice %arg2[%add3A_13, %dma_start3A_16] : memref<204800x128xf32, #tpu.memory_space<hbm>> -> memref<128x128xf32, #tpu.memory_space<hbm>>
    tpu.enqueue_dma source(%dma_start3A_17 : memref<128x128xf32, #tpu.memory_space<hbm>>) target(%arg7 : memref<128x128xf32, #tpu.memory_space<vmem>>) target_semaphore(%arg19 : memref<!tpu.dma_semaphore, #tpu.memory_space<semaphore_mem>>)
    %dma_start3A_18 = tpu.memref_slice %arg3[%add3A_13] : memref<204800xi32, #tpu.memory_space<hbm>> -> memref<128xi32, #tpu.memory_space<hbm>>
    %dma_start3A_19 = tpu.memref_slice %arg3[%add3A_13] : memref<204800xi32, #tpu.memory_space<hbm>> -> memref<128xi32, #tpu.memory_space<hbm>>
    tpu.enqueue_dma source(%dma_start3A_19 : memref<128xi32, #tpu.memory_space<hbm>>) target(%arg13 : memref<128xi32, #tpu.memory_space<vmem>>) target_semaphore(%arg25 : memref<!tpu.dma_semaphore, #tpu.memory_space<semaphore_mem>>)
    %add3A_20 = arith.constant 256 : i32
    %add3A_21 = arith.addi %mul3A_2, %add3A_20 : i32
    %dma_start3A_22 = arith.constant 0 : i32
    %dma_start3A_23 = tpu.memref_slice %arg2[%add3A_21, %dma_start3A_22] : memref<204800x128xf32, #tpu.memory_space<hbm>> -> memref<128x128xf32, #tpu.memory_space<hbm>>
    %dma_start3A_24 = arith.constant 0 : i32
    %dma_start3A_25 = tpu.memref_slice %arg2[%add3A_21, %dma_start3A_24] : memref<204800x128xf32, #tpu.memory_space<hbm>> -> memref<128x128xf32, #tpu.memory_space<hbm>>
    tpu.enqueue_dma source(%dma_start3A_25 : memref<128x128xf32, #tpu.memory_space<hbm>>) target(%arg8 : memref<128x128xf32, #tpu.memory_space<vmem>>) target_semaphore(%arg20 : memref<!tpu.dma_semaphore, #tpu.memory_space<semaphore_mem>>)
    %dma_start3A_26 = tpu.memref_slice %arg3[%add3A_21] : memref<204800xi32, #tpu.memory_space<hbm>> -> memref<128xi32, #tpu.memory_space<hbm>>
    %dma_start3A_27 = tpu.memref_slice %arg3[%add3A_21] : memref<204800xi32, #tpu.memory_space<hbm>> -> memref<128xi32, #tpu.memory_space<hbm>>
    tpu.enqueue_dma source(%dma_start3A_27 : memref<128xi32, #tpu.memory_space<hbm>>) target(%arg14 : memref<128xi32, #tpu.memory_space<vmem>>) target_semaphore(%arg26 : memref<!tpu.dma_semaphore, #tpu.memory_space<semaphore_mem>>)
    %add3A_28 = arith.constant 384 : i32
    %add3A_29 = arith.addi %mul3A_2, %add3A_28 : i32
    %dma_start3A_30 = arith.constant 0 : i32
    %dma_start3A_31 = tpu.memref_slice %arg2[%add3A_29, %dma_start3A_30] : memref<204800x128xf32, #tpu.memory_space<hbm>> -> memref<128x128xf32, #tpu.memory_space<hbm>>
    %dma_start3A_32 = arith.constant 0 : i32
    %dma_start3A_33 = tpu.memref_slice %arg2[%add3A_29, %dma_start3A_32] : memref<204800x128xf32, #tpu.memory_space<hbm>> -> memref<128x128xf32, #tpu.memory_space<hbm>>
    tpu.enqueue_dma source(%dma_start3A_33 : memref<128x128xf32, #tpu.memory_space<hbm>>) target(%arg9 : memref<128x128xf32, #tpu.memory_space<vmem>>) target_semaphore(%arg21 : memref<!tpu.dma_semaphore, #tpu.memory_space<semaphore_mem>>)
    %dma_start3A_34 = tpu.memref_slice %arg3[%add3A_29] : memref<204800xi32, #tpu.memory_space<hbm>> -> memref<128xi32, #tpu.memory_space<hbm>>
    %dma_start3A_35 = tpu.memref_slice %arg3[%add3A_29] : memref<204800xi32, #tpu.memory_space<hbm>> -> memref<128xi32, #tpu.memory_space<hbm>>
    tpu.enqueue_dma source(%dma_start3A_35 : memref<128xi32, #tpu.memory_space<hbm>>) target(%arg15 : memref<128xi32, #tpu.memory_space<vmem>>) target_semaphore(%arg27 : memref<!tpu.dma_semaphore, #tpu.memory_space<semaphore_mem>>)
    %add3A_36 = arith.constant 512 : i32
    %add3A_37 = arith.addi %mul3A_2, %add3A_36 : i32
    %dma_start3A_38 = arith.constant 0 : i32
    %dma_start3A_39 = tpu.memref_slice %arg2[%add3A_37, %dma_start3A_38] : memref<204800x128xf32, #tpu.memory_space<hbm>> -> memref<128x128xf32, #tpu.memory_space<hbm>>
    %dma_start3A_40 = arith.constant 0 : i32
    %dma_start3A_41 = tpu.memref_slice %arg2[%add3A_37, %dma_start3A_40] : memref<204800x128xf32, #tpu.memory_space<hbm>> -> memref<128x128xf32, #tpu.memory_space<hbm>>
    tpu.enqueue_dma source(%dma_start3A_41 : memref<128x128xf32, #tpu.memory_space<hbm>>) target(%arg10 : memref<128x128xf32, #tpu.memory_space<vmem>>) target_semaphore(%arg22 : memref<!tpu.dma_semaphore, #tpu.memory_space<semaphore_mem>>)
    %dma_start3A_42 = tpu.memref_slice %arg3[%add3A_37] : memref<204800xi32, #tpu.memory_space<hbm>> -> memref<128xi32, #tpu.memory_space<hbm>>
    %dma_start3A_43 = tpu.memref_slice %arg3[%add3A_37] : memref<204800xi32, #tpu.memory_space<hbm>> -> memref<128xi32, #tpu.memory_space<hbm>>
    tpu.enqueue_dma source(%dma_start3A_43 : memref<128xi32, #tpu.memory_space<hbm>>) target(%arg16 : memref<128xi32, #tpu.memory_space<vmem>>) target_semaphore(%arg28 : memref<!tpu.dma_semaphore, #tpu.memory_space<semaphore_mem>>)
    %add3A_44 = arith.constant 640 : i32
    %add3A_45 = arith.addi %mul3A_2, %add3A_44 : i32
    %dma_start3A_46 = arith.constant 0 : i32
    %dma_start3A_47 = tpu.memref_slice %arg2[%add3A_45, %dma_start3A_46] : memref<204800x128xf32, #tpu.memory_space<hbm>> -> memref<128x128xf32, #tpu.memory_space<hbm>>
    %dma_start3A_48 = arith.constant 0 : i32
    %dma_start3A_49 = tpu.memref_slice %arg2[%add3A_45, %dma_start3A_48] : memref<204800x128xf32, #tpu.memory_space<hbm>> -> memref<128x128xf32, #tpu.memory_space<hbm>>
    tpu.enqueue_dma source(%dma_start3A_49 : memref<128x128xf32, #tpu.memory_space<hbm>>) target(%arg11 : memref<128x128xf32, #tpu.memory_space<vmem>>) target_semaphore(%arg23 : memref<!tpu.dma_semaphore, #tpu.memory_space<semaphore_mem>>)
    %dma_start3A_50 = tpu.memref_slice %arg3[%add3A_45] : memref<204800xi32, #tpu.memory_space<hbm>> -> memref<128xi32, #tpu.memory_space<hbm>>
    %dma_start3A_51 = tpu.memref_slice %arg3[%add3A_45] : memref<204800xi32, #tpu.memory_space<hbm>> -> memref<128xi32, #tpu.memory_space<hbm>>
    tpu.enqueue_dma source(%dma_start3A_51 : memref<128xi32, #tpu.memory_space<hbm>>) target(%arg17 : memref<128xi32, #tpu.memory_space<vmem>>) target_semaphore(%arg29 : memref<!tpu.dma_semaphore, #tpu.memory_space<semaphore_mem>>)
    %dma_wait3A = arith.constant 0 : i32
    %dma_wait3A_52 = tpu.memref_slice %arg2[%mul3A_2, %dma_wait3A] : memref<204800x128xf32, #tpu.memory_space<hbm>> -> memref<128x128xf32, #tpu.memory_space<hbm>>
    %dma_wait3A_53 = arith.constant 0 : i32
    %dma_wait3A_54 = tpu.memref_slice %arg2[%mul3A_2, %dma_wait3A_53] : memref<204800x128xf32, #tpu.memory_space<hbm>> -> memref<128x128xf32, #tpu.memory_space<hbm>>
    tpu.wait_dma2 semaphore(%arg18 : memref<!tpu.dma_semaphore, #tpu.memory_space<semaphore_mem>>) src(%dma_wait3A_54 : memref<128x128xf32, #tpu.memory_space<hbm>>) dst(%arg6 : memref<128x128xf32, #tpu.memory_space<vmem>>)
    %dma_wait3A_55 = tpu.memref_slice %arg3[%mul3A_2] : memref<204800xi32, #tpu.memory_space<hbm>> -> memref<128xi32, #tpu.memory_space<hbm>>
    %dma_wait3A_56 = tpu.memref_slice %arg3[%mul3A_2] : memref<204800xi32, #tpu.memory_space<hbm>> -> memref<128xi32, #tpu.memory_space<hbm>>
    tpu.wait_dma2 semaphore(%arg24 : memref<!tpu.dma_semaphore, #tpu.memory_space<semaphore_mem>>) src(%dma_wait3A_56 : memref<128xi32, #tpu.memory_space<hbm>>) dst(%arg12 : memref<128xi32, #tpu.memory_space<vmem>>)
    %dma_start3A_57 = arith.constant 0 : i32
    %dma_start3A_58 = arith.constant 0 : i32
    %dma_start3A_59 = tpu.memref_slice %arg42[%dma_start3A_57, %dma_start3A_58] : memref<365x128xf32, #tpu.memory_space<vmem_shared>> -> memref<365x128xf32, #tpu.memory_space<vmem_shared>>
    tpu.enqueue_indirect_dma source(%dma_start3A_59 : memref<365x128xf32, #tpu.memory_space<vmem_shared>>) target(%arg6 : memref<128x128xf32, #tpu.memory_space<vmem>>) offsets(%arg12 : memref<128xi32, #tpu.memory_space<vmem>>) semaphore(%arg30 : memref<!tpu.dma_semaphore, #tpu.memory_space<semaphore_mem>>) {add = true}
    %dma_wait3A_60 = arith.constant 0 : i32
    %dma_wait3A_61 = tpu.memref_slice %arg2[%mul3A_2, %dma_wait3A_60] : memref<204800x128xf32, #tpu.memory_space<hbm>> -> memref<128x128xf32, #tpu.memory_space<hbm>>
    %dma_wait3A_62 = arith.constant 0 : i32
    %dma_wait3A_63 = tpu.memref_slice %arg2[%mul3A_2, %dma_wait3A_62] : memref<204800x128xf32, #tpu.memory_space<hbm>> -> memref<128x128xf32, #tpu.memory_space<hbm>>
    tpu.wait_dma2 semaphore(%arg19 : memref<!tpu.dma_semaphore, #tpu.memory_space<semaphore_mem>>) src(%dma_wait3A_63 : memref<128x128xf32, #tpu.memory_space<hbm>>) dst(%arg7 : memref<128x128xf32, #tpu.memory_space<vmem>>)
    %dma_wait3A_64 = tpu.memref_slice %arg3[%mul3A_2] : memref<204800xi32, #tpu.memory_space<hbm>> -> memref<128xi32, #tpu.memory_space<hbm>>
    %dma_wait3A_65 = tpu.memref_slice %arg3[%mul3A_2] : memref<204800xi32, #tpu.memory_space<hbm>> -> memref<128xi32, #tpu.memory_space<hbm>>
    tpu.wait_dma2 semaphore(%arg25 : memref<!tpu.dma_semaphore, #tpu.memory_space<semaphore_mem>>) src(%dma_wait3A_65 : memref<128xi32, #tpu.memory_space<hbm>>) dst(%arg13 : memref<128xi32, #tpu.memory_space<vmem>>)
    %dma_start3A_66 = arith.constant 0 : i32
    %dma_start3A_67 = arith.constant 0 : i32
    %dma_start3A_68 = tpu.memref_slice %arg42[%dma_start3A_66, %dma_start3A_67] : memref<365x128xf32, #tpu.memory_space<vmem_shared>> -> memref<365x128xf32, #tpu.memory_space<vmem_shared>>
    tpu.enqueue_indirect_dma source(%dma_start3A_68 : memref<365x128xf32, #tpu.memory_space<vmem_shared>>) target(%arg7 : memref<128x128xf32, #tpu.memory_space<vmem>>) offsets(%arg13 : memref<128xi32, #tpu.memory_space<vmem>>) semaphore(%arg31 : memref<!tpu.dma_semaphore, #tpu.memory_space<semaphore_mem>>) {add = true}
    %scan3A = arith.constant 0 : i32
    %scan3A_69 = arith.constant 0 : i32
    %scan3A_70 = arith.constant 8 : i32
    %scan3A_71 = arith.addi %scan3A_69, %scan3A_70 : i32
    %scan3A_72 = arith.constant 1 : i32
    scf.for %scan3A_116 = %scan3A_69 to %scan3A_71 step %scan3A_72  : i32 {
      %mul3A_117 = arith.constant 6 : i32
      %mul3A_118 = arith.muli %scan3A_116, %mul3A_117 : i32
      %add3A_119 = arith.constant 0 : i32
      %add3A_120 = arith.addi %mul3A_118, %add3A_119 : i32
      %add3A_121 = arith.constant 2 : i32
      %add3A_122 = arith.addi %add3A_120, %add3A_121 : i32
      %lt3A = arith.constant 50 : i32
      %lt3A_123 = arith.cmpi slt, %add3A_122, %lt3A : i32
      %convert_element_type3A_124 = arith.extui %lt3A_123 : i1 to i32
      %cond3A_125 = arith.constant 0 : i32
      %cond3A_126 = arith.cmpi ne, %convert_element_type3A_124, %cond3A_125 : i32
      scf.if %cond3A_126 {
        %dma_wait3A_311 = arith.constant 0 : i32
        %dma_wait3A_312 = tpu.memref_slice %arg2[%mul3A_2, %dma_wait3A_311] : memref<204800x128xf32, #tpu.memory_space<hbm>> -> memref<128x128xf32, #tpu.memory_space<hbm>>
        %dma_wait3A_313 = arith.constant 0 : i32
        %dma_wait3A_314 = tpu.memref_slice %arg2[%mul3A_2, %dma_wait3A_313] : memref<204800x128xf32, #tpu.memory_space<hbm>> -> memref<128x128xf32, #tpu.memory_space<hbm>>
        tpu.wait_dma2 semaphore(%arg20 : memref<!tpu.dma_semaphore, #tpu.memory_space<semaphore_mem>>) src(%dma_wait3A_314 : memref<128x128xf32, #tpu.memory_space<hbm>>) dst(%arg8 : memref<128x128xf32, #tpu.memory_space<vmem>>)
        %dma_wait3A_315 = tpu.memref_slice %arg3[%mul3A_2] : memref<204800xi32, #tpu.memory_space<hbm>> -> memref<128xi32, #tpu.memory_space<hbm>>
        %dma_wait3A_316 = tpu.memref_slice %arg3[%mul3A_2] : memref<204800xi32, #tpu.memory_space<hbm>> -> memref<128xi32, #tpu.memory_space<hbm>>
        tpu.wait_dma2 semaphore(%arg26 : memref<!tpu.dma_semaphore, #tpu.memory_space<semaphore_mem>>) src(%dma_wait3A_316 : memref<128xi32, #tpu.memory_space<hbm>>) dst(%arg14 : memref<128xi32, #tpu.memory_space<vmem>>)
        %dma_start3A_317 = arith.constant 0 : i32
        %dma_start3A_318 = arith.constant 0 : i32
        %dma_start3A_319 = tpu.memref_slice %arg42[%dma_start3A_317, %dma_start3A_318] : memref<365x128xf32, #tpu.memory_space<vmem_shared>> -> memref<365x128xf32, #tpu.memory_space<vmem_shared>>
        tpu.enqueue_indirect_dma source(%dma_start3A_319 : memref<365x128xf32, #tpu.memory_space<vmem_shared>>) target(%arg8 : memref<128x128xf32, #tpu.memory_space<vmem>>) offsets(%arg14 : memref<128xi32, #tpu.memory_space<vmem>>) semaphore(%arg32 : memref<!tpu.dma_semaphore, #tpu.memory_space<semaphore_mem>>) {add = true}
      } else {
      }
      %dma_wait3A_127 = arith.constant 0 : i32
      %dma_wait3A_128 = arith.constant 0 : i32
      %dma_wait3A_129 = tpu.memref_slice %arg42[%dma_wait3A_127, %dma_wait3A_128] : memref<365x128xf32, #tpu.memory_space<vmem_shared>> -> memref<365x128xf32, #tpu.memory_space<vmem_shared>>
      tpu.wait_indirect_dma semaphore(%arg30 : memref<!tpu.dma_semaphore, #tpu.memory_space<semaphore_mem>>) src(%dma_wait3A_129 : memref<365x128xf32, #tpu.memory_space<vmem_shared>>) dst(%arg6 : memref<128x128xf32, #tpu.memory_space<vmem>>)
      %mul3A_130 = arith.constant 128 : i32
      %mul3A_131 = arith.muli %add3A_120, %mul3A_130 : i32
      %add3A_132 = arith.addi %mul3A_2, %mul3A_131 : i32
      %dma_start3A_133 = arith.constant 0 : i32
      %dma_start3A_134 = tpu.memref_slice %arg5[%add3A_132, %dma_start3A_133] : memref<204800x128xf32, #tpu.memory_space<hbm>> -> memref<128x128xf32, #tpu.memory_space<hbm>>
      %dma_start3A_135 = arith.constant 0 : i32
      %dma_start3A_136 = tpu.memref_slice %arg5[%add3A_132, %dma_start3A_135] : memref<204800x128xf32, #tpu.memory_space<hbm>> -> memref<128x128xf32, #tpu.memory_space<hbm>>
      tpu.enqueue_dma source(%arg6 : memref<128x128xf32, #tpu.memory_space<vmem>>) target(%dma_start3A_136 : memref<128x128xf32, #tpu.memory_space<hbm>>) target_semaphore(%arg36 : memref<!tpu.dma_semaphore, #tpu.memory_space<semaphore_mem>>)
      %ge3A = arith.constant 1 : i32
      %ge3A_137 = arith.cmpi sge, %add3A_120, %ge3A : i32
      %add3A_138 = arith.constant 6 : i32
      %add3A_139 = arith.addi %add3A_120, %add3A_138 : i32
      %sub3A = arith.constant 1 : i32
      %sub3A_140 = arith.subi %add3A_139, %sub3A : i32
      %lt3A_141 = arith.constant 50 : i32
      %lt3A_142 = arith.cmpi slt, %sub3A_140, %lt3A_141 : i32
      %and3A = arith.andi %ge3A_137, %lt3A_142 : i1
      %convert_element_type3A_143 = arith.extui %and3A : i1 to i32
      %cond3A_144 = arith.constant 0 : i32
      %cond3A_145 = arith.cmpi ne, %convert_element_type3A_143, %cond3A_144 : i32
      scf.if %cond3A_145 {
        %dma_wait3A_311 = arith.constant 0 : i32
        %dma_wait3A_312 = tpu.memref_slice %arg5[%mul3A_2, %dma_wait3A_311] : memref<204800x128xf32, #tpu.memory_space<hbm>> -> memref<128x128xf32, #tpu.memory_space<hbm>>
        %dma_wait3A_313 = arith.constant 0 : i32
        %dma_wait3A_314 = tpu.memref_slice %arg5[%mul3A_2, %dma_wait3A_313] : memref<204800x128xf32, #tpu.memory_space<hbm>> -> memref<128x128xf32, #tpu.memory_space<hbm>>
        tpu.wait_dma2 semaphore(%arg41 : memref<!tpu.dma_semaphore, #tpu.memory_space<semaphore_mem>>) src(%arg11 : memref<128x128xf32, #tpu.memory_space<vmem>>) dst(%dma_wait3A_314 : memref<128x128xf32, #tpu.memory_space<hbm>>)
        %add3A_315 = arith.constant 6 : i32
        %add3A_316 = arith.addi %add3A_120, %add3A_315 : i32
        %sub3A_317 = arith.constant 1 : i32
        %sub3A_318 = arith.subi %add3A_316, %sub3A_317 : i32
        %mul3A_319 = arith.constant 128 : i32
        %mul3A_320 = arith.muli %sub3A_318, %mul3A_319 : i32
        %add3A_321 = arith.addi %mul3A_2, %mul3A_320 : i32
        %dma_start3A_322 = arith.constant 0 : i32
        %dma_start3A_323 = tpu.memref_slice %arg2[%add3A_321, %dma_start3A_322] : memref<204800x128xf32, #tpu.memory_space<hbm>> -> memref<128x128xf32, #tpu.memory_space<hbm>>
        %dma_start3A_324 = arith.constant 0 : i32
        %dma_start3A_325 = tpu.memref_slice %arg2[%add3A_321, %dma_start3A_324] : memref<204800x128xf32, #tpu.memory_space<hbm>> -> memref<128x128xf32, #tpu.memory_space<hbm>>
        tpu.enqueue_dma source(%dma_start3A_325 : memref<128x128xf32, #tpu.memory_space<hbm>>) target(%arg11 : memref<128x128xf32, #tpu.memory_space<vmem>>) target_semaphore(%arg23 : memref<!tpu.dma_semaphore, #tpu.memory_space<semaphore_mem>>)
        %dma_start3A_326 = tpu.memref_slice %arg3[%add3A_321] : memref<204800xi32, #tpu.memory_space<hbm>> -> memref<128xi32, #tpu.memory_space<hbm>>
        %dma_start3A_327 = tpu.memref_slice %arg3[%add3A_321] : memref<204800xi32, #tpu.memory_space<hbm>> -> memref<128xi32, #tpu.memory_space<hbm>>
        tpu.enqueue_dma source(%dma_start3A_327 : memref<128xi32, #tpu.memory_space<hbm>>) target(%arg17 : memref<128xi32, #tpu.memory_space<vmem>>) target_semaphore(%arg29 : memref<!tpu.dma_semaphore, #tpu.memory_space<semaphore_mem>>)
      } else {
      }
      %mul3A_146 = arith.constant 6 : i32
      %mul3A_147 = arith.muli %scan3A_116, %mul3A_146 : i32
      %add3A_148 = arith.constant 1 : i32
      %add3A_149 = arith.addi %mul3A_147, %add3A_148 : i32
      %add3A_150 = arith.constant 2 : i32
      %add3A_151 = arith.addi %add3A_149, %add3A_150 : i32
      %lt3A_152 = arith.constant 50 : i32
      %lt3A_153 = arith.cmpi slt, %add3A_151, %lt3A_152 : i32
      %convert_element_type3A_154 = arith.extui %lt3A_153 : i1 to i32
      %cond3A_155 = arith.constant 0 : i32
      %cond3A_156 = arith.cmpi ne, %convert_element_type3A_154, %cond3A_155 : i32
      scf.if %cond3A_156 {
        %dma_wait3A_311 = arith.constant 0 : i32
        %dma_wait3A_312 = tpu.memref_slice %arg2[%mul3A_2, %dma_wait3A_311] : memref<204800x128xf32, #tpu.memory_space<hbm>> -> memref<128x128xf32, #tpu.memory_space<hbm>>
        %dma_wait3A_313 = arith.constant 0 : i32
        %dma_wait3A_314 = tpu.memref_slice %arg2[%mul3A_2, %dma_wait3A_313] : memref<204800x128xf32, #tpu.memory_space<hbm>> -> memref<128x128xf32, #tpu.memory_space<hbm>>
        tpu.wait_dma2 semaphore(%arg21 : memref<!tpu.dma_semaphore, #tpu.memory_space<semaphore_mem>>) src(%dma_wait3A_314 : memref<128x128xf32, #tpu.memory_space<hbm>>) dst(%arg9 : memref<128x128xf32, #tpu.memory_space<vmem>>)
        %dma_wait3A_315 = tpu.memref_slice %arg3[%mul3A_2] : memref<204800xi32, #tpu.memory_space<hbm>> -> memref<128xi32, #tpu.memory_space<hbm>>
        %dma_wait3A_316 = tpu.memref_slice %arg3[%mul3A_2] : memref<204800xi32, #tpu.memory_space<hbm>> -> memref<128xi32, #tpu.memory_space<hbm>>
        tpu.wait_dma2 semaphore(%arg27 : memref<!tpu.dma_semaphore, #tpu.memory_space<semaphore_mem>>) src(%dma_wait3A_316 : memref<128xi32, #tpu.memory_space<hbm>>) dst(%arg15 : memref<128xi32, #tpu.memory_space<vmem>>)
        %dma_start3A_317 = arith.constant 0 : i32
        %dma_start3A_318 = arith.constant 0 : i32
        %dma_start3A_319 = tpu.memref_slice %arg42[%dma_start3A_317, %dma_start3A_318] : memref<365x128xf32, #tpu.memory_space<vmem_shared>> -> memref<365x128xf32, #tpu.memory_space<vmem_shared>>
        tpu.enqueue_indirect_dma source(%dma_start3A_319 : memref<365x128xf32, #tpu.memory_space<vmem_shared>>) target(%arg9 : memref<128x128xf32, #tpu.memory_space<vmem>>) offsets(%arg15 : memref<128xi32, #tpu.memory_space<vmem>>) semaphore(%arg33 : memref<!tpu.dma_semaphore, #tpu.memory_space<semaphore_mem>>) {add = true}
      } else {
      }
      %dma_wait3A_157 = arith.constant 0 : i32
      %dma_wait3A_158 = arith.constant 0 : i32
      %dma_wait3A_159 = tpu.memref_slice %arg42[%dma_wait3A_157, %dma_wait3A_158] : memref<365x128xf32, #tpu.memory_space<vmem_shared>> -> memref<365x128xf32, #tpu.memory_space<vmem_shared>>
      tpu.wait_indirect_dma semaphore(%arg31 : memref<!tpu.dma_semaphore, #tpu.memory_space<semaphore_mem>>) src(%dma_wait3A_159 : memref<365x128xf32, #tpu.memory_space<vmem_shared>>) dst(%arg7 : memref<128x128xf32, #tpu.memory_space<vmem>>)
      %mul3A_160 = arith.constant 128 : i32
      %mul3A_161 = arith.muli %add3A_149, %mul3A_160 : i32
      %add3A_162 = arith.addi %mul3A_2, %mul3A_161 : i32
      %dma_start3A_163 = arith.constant 0 : i32
      %dma_start3A_164 = tpu.memref_slice %arg5[%add3A_162, %dma_start3A_163] : memref<204800x128xf32, #tpu.memory_space<hbm>> -> memref<128x128xf32, #tpu.memory_space<hbm>>
      %dma_start3A_165 = arith.constant 0 : i32
      %dma_start3A_166 = tpu.memref_slice %arg5[%add3A_162, %dma_start3A_165] : memref<204800x128xf32, #tpu.memory_space<hbm>> -> memref<128x128xf32, #tpu.memory_space<hbm>>
      tpu.enqueue_dma source(%arg7 : memref<128x128xf32, #tpu.memory_space<vmem>>) target(%dma_start3A_166 : memref<128x128xf32, #tpu.memory_space<hbm>>) target_semaphore(%arg37 : memref<!tpu.dma_semaphore, #tpu.memory_space<semaphore_mem>>)
      %ge3A_167 = arith.constant 1 : i32
      %ge3A_168 = arith.cmpi sge, %add3A_149, %ge3A_167 : i32
      %add3A_169 = arith.constant 6 : i32
      %add3A_170 = arith.addi %add3A_149, %add3A_169 : i32
      %sub3A_171 = arith.constant 1 : i32
      %sub3A_172 = arith.subi %add3A_170, %sub3A_171 : i32
      %lt3A_173 = arith.constant 50 : i32
      %lt3A_174 = arith.cmpi slt, %sub3A_172, %lt3A_173 : i32
      %and3A_175 = arith.andi %ge3A_168, %lt3A_174 : i1
      %convert_element_type3A_176 = arith.extui %and3A_175 : i1 to i32
      %cond3A_177 = arith.constant 0 : i32
      %cond3A_178 = arith.cmpi ne, %convert_element_type3A_176, %cond3A_177 : i32
      scf.if %cond3A_178 {
        %dma_wait3A_311 = arith.constant 0 : i32
        %dma_wait3A_312 = tpu.memref_slice %arg5[%mul3A_2, %dma_wait3A_311] : memref<204800x128xf32, #tpu.memory_space<hbm>> -> memref<128x128xf32, #tpu.memory_space<hbm>>
        %dma_wait3A_313 = arith.constant 0 : i32
        %dma_wait3A_314 = tpu.memref_slice %arg5[%mul3A_2, %dma_wait3A_313] : memref<204800x128xf32, #tpu.memory_space<hbm>> -> memref<128x128xf32, #tpu.memory_space<hbm>>
        tpu.wait_dma2 semaphore(%arg36 : memref<!tpu.dma_semaphore, #tpu.memory_space<semaphore_mem>>) src(%arg6 : memref<128x128xf32, #tpu.memory_space<vmem>>) dst(%dma_wait3A_314 : memref<128x128xf32, #tpu.memory_space<hbm>>)
        %add3A_315 = arith.constant 6 : i32
        %add3A_316 = arith.addi %add3A_149, %add3A_315 : i32
        %sub3A_317 = arith.constant 1 : i32
        %sub3A_318 = arith.subi %add3A_316, %sub3A_317 : i32
        %mul3A_319 = arith.constant 128 : i32
        %mul3A_320 = arith.muli %sub3A_318, %mul3A_319 : i32
        %add3A_321 = arith.addi %mul3A_2, %mul3A_320 : i32
        %dma_start3A_322 = arith.constant 0 : i32
        %dma_start3A_323 = tpu.memref_slice %arg2[%add3A_321, %dma_start3A_322] : memref<204800x128xf32, #tpu.memory_space<hbm>> -> memref<128x128xf32, #tpu.memory_space<hbm>>
        %dma_start3A_324 = arith.constant 0 : i32
        %dma_start3A_325 = tpu.memref_slice %arg2[%add3A_321, %dma_start3A_324] : memref<204800x128xf32, #tpu.memory_space<hbm>> -> memref<128x128xf32, #tpu.memory_space<hbm>>
        tpu.enqueue_dma source(%dma_start3A_325 : memref<128x128xf32, #tpu.memory_space<hbm>>) target(%arg6 : memref<128x128xf32, #tpu.memory_space<vmem>>) target_semaphore(%arg18 : memref<!tpu.dma_semaphore, #tpu.memory_space<semaphore_mem>>)
        %dma_start3A_326 = tpu.memref_slice %arg3[%add3A_321] : memref<204800xi32, #tpu.memory_space<hbm>> -> memref<128xi32, #tpu.memory_space<hbm>>
        %dma_start3A_327 = tpu.memref_slice %arg3[%add3A_321] : memref<204800xi32, #tpu.memory_space<hbm>> -> memref<128xi32, #tpu.memory_space<hbm>>
        tpu.enqueue_dma source(%dma_start3A_327 : memref<128xi32, #tpu.memory_space<hbm>>) target(%arg12 : memref<128xi32, #tpu.memory_space<vmem>>) target_semaphore(%arg24 : memref<!tpu.dma_semaphore, #tpu.memory_space<semaphore_mem>>)
      } else {
      }
      %mul3A_179 = arith.constant 6 : i32
      %mul3A_180 = arith.muli %scan3A_116, %mul3A_179 : i32
      %add3A_181 = arith.constant 2 : i32
      %add3A_182 = arith.addi %mul3A_180, %add3A_181 : i32
      %add3A_183 = arith.constant 2 : i32
      %add3A_184 = arith.addi %add3A_182, %add3A_183 : i32
      %lt3A_185 = arith.constant 50 : i32
      %lt3A_186 = arith.cmpi slt, %add3A_184, %lt3A_185 : i32
      %convert_element_type3A_187 = arith.extui %lt3A_186 : i1 to i32
      %cond3A_188 = arith.constant 0 : i32
      %cond3A_189 = arith.cmpi ne, %convert_element_type3A_187, %cond3A_188 : i32
      scf.if %cond3A_189 {
        %dma_wait3A_311 = arith.constant 0 : i32
        %dma_wait3A_312 = tpu.memref_slice %arg2[%mul3A_2, %dma_wait3A_311] : memref<204800x128xf32, #tpu.memory_space<hbm>> -> memref<128x128xf32, #tpu.memory_space<hbm>>
        %dma_wait3A_313 = arith.constant 0 : i32
        %dma_wait3A_314 = tpu.memref_slice %arg2[%mul3A_2, %dma_wait3A_313] : memref<204800x128xf32, #tpu.memory_space<hbm>> -> memref<128x128xf32, #tpu.memory_space<hbm>>
        tpu.wait_dma2 semaphore(%arg22 : memref<!tpu.dma_semaphore, #tpu.memory_space<semaphore_mem>>) src(%dma_wait3A_314 : memref<128x128xf32, #tpu.memory_space<hbm>>) dst(%arg10 : memref<128x128xf32, #tpu.memory_space<vmem>>)
        %dma_wait3A_315 = tpu.memref_slice %arg3[%mul3A_2] : memref<204800xi32, #tpu.memory_space<hbm>> -> memref<128xi32, #tpu.memory_space<hbm>>
        %dma_wait3A_316 = tpu.memref_slice %arg3[%mul3A_2] : memref<204800xi32, #tpu.memory_space<hbm>> -> memref<128xi32, #tpu.memory_space<hbm>>
        tpu.wait_dma2 semaphore(%arg28 : memref<!tpu.dma_semaphore, #tpu.memory_space<semaphore_mem>>) src(%dma_wait3A_316 : memref<128xi32, #tpu.memory_space<hbm>>) dst(%arg16 : memref<128xi32, #tpu.memory_space<vmem>>)
        %dma_start3A_317 = arith.constant 0 : i32
        %dma_start3A_318 = arith.constant 0 : i32
        %dma_start3A_319 = tpu.memref_slice %arg42[%dma_start3A_317, %dma_start3A_318] : memref<365x128xf32, #tpu.memory_space<vmem_shared>> -> memref<365x128xf32, #tpu.memory_space<vmem_shared>>
        tpu.enqueue_indirect_dma source(%dma_start3A_319 : memref<365x128xf32, #tpu.memory_space<vmem_shared>>) target(%arg10 : memref<128x128xf32, #tpu.memory_space<vmem>>) offsets(%arg16 : memref<128xi32, #tpu.memory_space<vmem>>) semaphore(%arg34 : memref<!tpu.dma_semaphore, #tpu.memory_space<semaphore_mem>>) {add = true}
      } else {
      }
      %dma_wait3A_190 = arith.constant 0 : i32
      %dma_wait3A_191 = arith.constant 0 : i32
      %dma_wait3A_192 = tpu.memref_slice %arg42[%dma_wait3A_190, %dma_wait3A_191] : memref<365x128xf32, #tpu.memory_space<vmem_shared>> -> memref<365x128xf32, #tpu.memory_space<vmem_shared>>
      tpu.wait_indirect_dma semaphore(%arg32 : memref<!tpu.dma_semaphore, #tpu.memory_space<semaphore_mem>>) src(%dma_wait3A_192 : memref<365x128xf32, #tpu.memory_space<vmem_shared>>) dst(%arg8 : memref<128x128xf32, #tpu.memory_space<vmem>>)
      %mul3A_193 = arith.constant 128 : i32
      %mul3A_194 = arith.muli %add3A_182, %mul3A_193 : i32
      %add3A_195 = arith.addi %mul3A_2, %mul3A_194 : i32
      %dma_start3A_196 = arith.constant 0 : i32
      %dma_start3A_197 = tpu.memref_slice %arg5[%add3A_195, %dma_start3A_196] : memref<204800x128xf32, #tpu.memory_space<hbm>> -> memref<128x128xf32, #tpu.memory_space<hbm>>
      %dma_start3A_198 = arith.constant 0 : i32
      %dma_start3A_199 = tpu.memref_slice %arg5[%add3A_195, %dma_start3A_198] : memref<204800x128xf32, #tpu.memory_space<hbm>> -> memref<128x128xf32, #tpu.memory_space<hbm>>
      tpu.enqueue_dma source(%arg8 : memref<128x128xf32, #tpu.memory_space<vmem>>) target(%dma_start3A_199 : memref<128x128xf32, #tpu.memory_space<hbm>>) target_semaphore(%arg38 : memref<!tpu.dma_semaphore, #tpu.memory_space<semaphore_mem>>)
      %ge3A_200 = arith.constant 1 : i32
      %ge3A_201 = arith.cmpi sge, %add3A_182, %ge3A_200 : i32
      %add3A_202 = arith.constant 6 : i32
      %add3A_203 = arith.addi %add3A_182, %add3A_202 : i32
      %sub3A_204 = arith.constant 1 : i32
      %sub3A_205 = arith.subi %add3A_203, %sub3A_204 : i32
      %lt3A_206 = arith.constant 50 : i32
      %lt3A_207 = arith.cmpi slt, %sub3A_205, %lt3A_206 : i32
      %and3A_208 = arith.andi %ge3A_201, %lt3A_207 : i1
      %convert_element_type3A_209 = arith.extui %and3A_208 : i1 to i32
      %cond3A_210 = arith.constant 0 : i32
      %cond3A_211 = arith.cmpi ne, %convert_element_type3A_209, %cond3A_210 : i32
      scf.if %cond3A_211 {
        %dma_wait3A_311 = arith.constant 0 : i32
        %dma_wait3A_312 = tpu.memref_slice %arg5[%mul3A_2, %dma_wait3A_311] : memref<204800x128xf32, #tpu.memory_space<hbm>> -> memref<128x128xf32, #tpu.memory_space<hbm>>
        %dma_wait3A_313 = arith.constant 0 : i32
        %dma_wait3A_314 = tpu.memref_slice %arg5[%mul3A_2, %dma_wait3A_313] : memref<204800x128xf32, #tpu.memory_space<hbm>> -> memref<128x128xf32, #tpu.memory_space<hbm>>
        tpu.wait_dma2 semaphore(%arg37 : memref<!tpu.dma_semaphore, #tpu.memory_space<semaphore_mem>>) src(%arg7 : memref<128x128xf32, #tpu.memory_space<vmem>>) dst(%dma_wait3A_314 : memref<128x128xf32, #tpu.memory_space<hbm>>)
        %add3A_315 = arith.constant 6 : i32
        %add3A_316 = arith.addi %add3A_182, %add3A_315 : i32
        %sub3A_317 = arith.constant 1 : i32
        %sub3A_318 = arith.subi %add3A_316, %sub3A_317 : i32
        %mul3A_319 = arith.constant 128 : i32
        %mul3A_320 = arith.muli %sub3A_318, %mul3A_319 : i32
        %add3A_321 = arith.addi %mul3A_2, %mul3A_320 : i32
        %dma_start3A_322 = arith.constant 0 : i32
        %dma_start3A_323 = tpu.memref_slice %arg2[%add3A_321, %dma_start3A_322] : memref<204800x128xf32, #tpu.memory_space<hbm>> -> memref<128x128xf32, #tpu.memory_space<hbm>>
        %dma_start3A_324 = arith.constant 0 : i32
        %dma_start3A_325 = tpu.memref_slice %arg2[%add3A_321, %dma_start3A_324] : memref<204800x128xf32, #tpu.memory_space<hbm>> -> memref<128x128xf32, #tpu.memory_space<hbm>>
        tpu.enqueue_dma source(%dma_start3A_325 : memref<128x128xf32, #tpu.memory_space<hbm>>) target(%arg7 : memref<128x128xf32, #tpu.memory_space<vmem>>) target_semaphore(%arg19 : memref<!tpu.dma_semaphore, #tpu.memory_space<semaphore_mem>>)
        %dma_start3A_326 = tpu.memref_slice %arg3[%add3A_321] : memref<204800xi32, #tpu.memory_space<hbm>> -> memref<128xi32, #tpu.memory_space<hbm>>
        %dma_start3A_327 = tpu.memref_slice %arg3[%add3A_321] : memref<204800xi32, #tpu.memory_space<hbm>> -> memref<128xi32, #tpu.memory_space<hbm>>
        tpu.enqueue_dma source(%dma_start3A_327 : memref<128xi32, #tpu.memory_space<hbm>>) target(%arg13 : memref<128xi32, #tpu.memory_space<vmem>>) target_semaphore(%arg25 : memref<!tpu.dma_semaphore, #tpu.memory_space<semaphore_mem>>)
      } else {
      }
      %mul3A_212 = arith.constant 6 : i32
      %mul3A_213 = arith.muli %scan3A_116, %mul3A_212 : i32
      %add3A_214 = arith.constant 3 : i32
      %add3A_215 = arith.addi %mul3A_213, %add3A_214 : i32
      %add3A_216 = arith.constant 2 : i32
      %add3A_217 = arith.addi %add3A_215, %add3A_216 : i32
      %lt3A_218 = arith.constant 50 : i32
      %lt3A_219 = arith.cmpi slt, %add3A_217, %lt3A_218 : i32
      %convert_element_type3A_220 = arith.extui %lt3A_219 : i1 to i32
      %cond3A_221 = arith.constant 0 : i32
      %cond3A_222 = arith.cmpi ne, %convert_element_type3A_220, %cond3A_221 : i32
      scf.if %cond3A_222 {
        %dma_wait3A_311 = arith.constant 0 : i32
        %dma_wait3A_312 = tpu.memref_slice %arg2[%mul3A_2, %dma_wait3A_311] : memref<204800x128xf32, #tpu.memory_space<hbm>> -> memref<128x128xf32, #tpu.memory_space<hbm>>
        %dma_wait3A_313 = arith.constant 0 : i32
        %dma_wait3A_314 = tpu.memref_slice %arg2[%mul3A_2, %dma_wait3A_313] : memref<204800x128xf32, #tpu.memory_space<hbm>> -> memref<128x128xf32, #tpu.memory_space<hbm>>
        tpu.wait_dma2 semaphore(%arg23 : memref<!tpu.dma_semaphore, #tpu.memory_space<semaphore_mem>>) src(%dma_wait3A_314 : memref<128x128xf32, #tpu.memory_space<hbm>>) dst(%arg11 : memref<128x128xf32, #tpu.memory_space<vmem>>)
        %dma_wait3A_315 = tpu.memref_slice %arg3[%mul3A_2] : memref<204800xi32, #tpu.memory_space<hbm>> -> memref<128xi32, #tpu.memory_space<hbm>>
        %dma_wait3A_316 = tpu.memref_slice %arg3[%mul3A_2] : memref<204800xi32, #tpu.memory_space<hbm>> -> memref<128xi32, #tpu.memory_space<hbm>>
        tpu.wait_dma2 semaphore(%arg29 : memref<!tpu.dma_semaphore, #tpu.memory_space<semaphore_mem>>) src(%dma_wait3A_316 : memref<128xi32, #tpu.memory_space<hbm>>) dst(%arg17 : memref<128xi32, #tpu.memory_space<vmem>>)
        %dma_start3A_317 = arith.constant 0 : i32
        %dma_start3A_318 = arith.constant 0 : i32
        %dma_start3A_319 = tpu.memref_slice %arg42[%dma_start3A_317, %dma_start3A_318] : memref<365x128xf32, #tpu.memory_space<vmem_shared>> -> memref<365x128xf32, #tpu.memory_space<vmem_shared>>
        tpu.enqueue_indirect_dma source(%dma_start3A_319 : memref<365x128xf32, #tpu.memory_space<vmem_shared>>) target(%arg11 : memref<128x128xf32, #tpu.memory_space<vmem>>) offsets(%arg17 : memref<128xi32, #tpu.memory_space<vmem>>) semaphore(%arg35 : memref<!tpu.dma_semaphore, #tpu.memory_space<semaphore_mem>>) {add = true}
      } else {
      }
      %dma_wait3A_223 = arith.constant 0 : i32
      %dma_wait3A_224 = arith.constant 0 : i32
      %dma_wait3A_225 = tpu.memref_slice %arg42[%dma_wait3A_223, %dma_wait3A_224] : memref<365x128xf32, #tpu.memory_space<vmem_shared>> -> memref<365x128xf32, #tpu.memory_space<vmem_shared>>
      tpu.wait_indirect_dma semaphore(%arg33 : memref<!tpu.dma_semaphore, #tpu.memory_space<semaphore_mem>>) src(%dma_wait3A_225 : memref<365x128xf32, #tpu.memory_space<vmem_shared>>) dst(%arg9 : memref<128x128xf32, #tpu.memory_space<vmem>>)
      %mul3A_226 = arith.constant 128 : i32
      %mul3A_227 = arith.muli %add3A_215, %mul3A_226 : i32
      %add3A_228 = arith.addi %mul3A_2, %mul3A_227 : i32
      %dma_start3A_229 = arith.constant 0 : i32
      %dma_start3A_230 = tpu.memref_slice %arg5[%add3A_228, %dma_start3A_229] : memref<204800x128xf32, #tpu.memory_space<hbm>> -> memref<128x128xf32, #tpu.memory_space<hbm>>
      %dma_start3A_231 = arith.constant 0 : i32
      %dma_start3A_232 = tpu.memref_slice %arg5[%add3A_228, %dma_start3A_231] : memref<204800x128xf32, #tpu.memory_space<hbm>> -> memref<128x128xf32, #tpu.memory_space<hbm>>
      tpu.enqueue_dma source(%arg9 : memref<128x128xf32, #tpu.memory_space<vmem>>) target(%dma_start3A_232 : memref<128x128xf32, #tpu.memory_space<hbm>>) target_semaphore(%arg39 : memref<!tpu.dma_semaphore, #tpu.memory_space<semaphore_mem>>)
      %ge3A_233 = arith.constant 1 : i32
      %ge3A_234 = arith.cmpi sge, %add3A_215, %ge3A_233 : i32
      %add3A_235 = arith.constant 6 : i32
      %add3A_236 = arith.addi %add3A_215, %add3A_235 : i32
      %sub3A_237 = arith.constant 1 : i32
      %sub3A_238 = arith.subi %add3A_236, %sub3A_237 : i32
      %lt3A_239 = arith.constant 50 : i32
      %lt3A_240 = arith.cmpi slt, %sub3A_238, %lt3A_239 : i32
      %and3A_241 = arith.andi %ge3A_234, %lt3A_240 : i1
      %convert_element_type3A_242 = arith.extui %and3A_241 : i1 to i32
      %cond3A_243 = arith.constant 0 : i32
      %cond3A_244 = arith.cmpi ne, %convert_element_type3A_242, %cond3A_243 : i32
      scf.if %cond3A_244 {
        %dma_wait3A_311 = arith.constant 0 : i32
        %dma_wait3A_312 = tpu.memref_slice %arg5[%mul3A_2, %dma_wait3A_311] : memref<204800x128xf32, #tpu.memory_space<hbm>> -> memref<128x128xf32, #tpu.memory_space<hbm>>
        %dma_wait3A_313 = arith.constant 0 : i32
        %dma_wait3A_314 = tpu.memref_slice %arg5[%mul3A_2, %dma_wait3A_313] : memref<204800x128xf32, #tpu.memory_space<hbm>> -> memref<128x128xf32, #tpu.memory_space<hbm>>
        tpu.wait_dma2 semaphore(%arg38 : memref<!tpu.dma_semaphore, #tpu.memory_space<semaphore_mem>>) src(%arg8 : memref<128x128xf32, #tpu.memory_space<vmem>>) dst(%dma_wait3A_314 : memref<128x128xf32, #tpu.memory_space<hbm>>)
        %add3A_315 = arith.constant 6 : i32
        %add3A_316 = arith.addi %add3A_215, %add3A_315 : i32
        %sub3A_317 = arith.constant 1 : i32
        %sub3A_318 = arith.subi %add3A_316, %sub3A_317 : i32
        %mul3A_319 = arith.constant 128 : i32
        %mul3A_320 = arith.muli %sub3A_318, %mul3A_319 : i32
        %add3A_321 = arith.addi %mul3A_2, %mul3A_320 : i32
        %dma_start3A_322 = arith.constant 0 : i32
        %dma_start3A_323 = tpu.memref_slice %arg2[%add3A_321, %dma_start3A_322] : memref<204800x128xf32, #tpu.memory_space<hbm>> -> memref<128x128xf32, #tpu.memory_space<hbm>>
        %dma_start3A_324 = arith.constant 0 : i32
        %dma_start3A_325 = tpu.memref_slice %arg2[%add3A_321, %dma_start3A_324] : memref<204800x128xf32, #tpu.memory_space<hbm>> -> memref<128x128xf32, #tpu.memory_space<hbm>>
        tpu.enqueue_dma source(%dma_start3A_325 : memref<128x128xf32, #tpu.memory_space<hbm>>) target(%arg8 : memref<128x128xf32, #tpu.memory_space<vmem>>) target_semaphore(%arg20 : memref<!tpu.dma_semaphore, #tpu.memory_space<semaphore_mem>>)
        %dma_start3A_326 = tpu.memref_slice %arg3[%add3A_321] : memref<204800xi32, #tpu.memory_space<hbm>> -> memref<128xi32, #tpu.memory_space<hbm>>
        %dma_start3A_327 = tpu.memref_slice %arg3[%add3A_321] : memref<204800xi32, #tpu.memory_space<hbm>> -> memref<128xi32, #tpu.memory_space<hbm>>
        tpu.enqueue_dma source(%dma_start3A_327 : memref<128xi32, #tpu.memory_space<hbm>>) target(%arg14 : memref<128xi32, #tpu.memory_space<vmem>>) target_semaphore(%arg26 : memref<!tpu.dma_semaphore, #tpu.memory_space<semaphore_mem>>)
      } else {
      }
      %mul3A_245 = arith.constant 6 : i32
      %mul3A_246 = arith.muli %scan3A_116, %mul3A_245 : i32
      %add3A_247 = arith.constant 4 : i32
      %add3A_248 = arith.addi %mul3A_246, %add3A_247 : i32
      %add3A_249 = arith.constant 2 : i32
      %add3A_250 = arith.addi %add3A_248, %add3A_249 : i32
      %lt3A_251 = arith.constant 50 : i32
      %lt3A_252 = arith.cmpi slt, %add3A_250, %lt3A_251 : i32
      %convert_element_type3A_253 = arith.extui %lt3A_252 : i1 to i32
      %cond3A_254 = arith.constant 0 : i32
      %cond3A_255 = arith.cmpi ne, %convert_element_type3A_253, %cond3A_254 : i32
      scf.if %cond3A_255 {
        %dma_wait3A_311 = arith.constant 0 : i32
        %dma_wait3A_312 = tpu.memref_slice %arg2[%mul3A_2, %dma_wait3A_311] : memref<204800x128xf32, #tpu.memory_space<hbm>> -> memref<128x128xf32, #tpu.memory_space<hbm>>
        %dma_wait3A_313 = arith.constant 0 : i32
        %dma_wait3A_314 = tpu.memref_slice %arg2[%mul3A_2, %dma_wait3A_313] : memref<204800x128xf32, #tpu.memory_space<hbm>> -> memref<128x128xf32, #tpu.memory_space<hbm>>
        tpu.wait_dma2 semaphore(%arg18 : memref<!tpu.dma_semaphore, #tpu.memory_space<semaphore_mem>>) src(%dma_wait3A_314 : memref<128x128xf32, #tpu.memory_space<hbm>>) dst(%arg6 : memref<128x128xf32, #tpu.memory_space<vmem>>)
        %dma_wait3A_315 = tpu.memref_slice %arg3[%mul3A_2] : memref<204800xi32, #tpu.memory_space<hbm>> -> memref<128xi32, #tpu.memory_space<hbm>>
        %dma_wait3A_316 = tpu.memref_slice %arg3[%mul3A_2] : memref<204800xi32, #tpu.memory_space<hbm>> -> memref<128xi32, #tpu.memory_space<hbm>>
        tpu.wait_dma2 semaphore(%arg24 : memref<!tpu.dma_semaphore, #tpu.memory_space<semaphore_mem>>) src(%dma_wait3A_316 : memref<128xi32, #tpu.memory_space<hbm>>) dst(%arg12 : memref<128xi32, #tpu.memory_space<vmem>>)
        %dma_start3A_317 = arith.constant 0 : i32
        %dma_start3A_318 = arith.constant 0 : i32
        %dma_start3A_319 = tpu.memref_slice %arg42[%dma_start3A_317, %dma_start3A_318] : memref<365x128xf32, #tpu.memory_space<vmem_shared>> -> memref<365x128xf32, #tpu.memory_space<vmem_shared>>
        tpu.enqueue_indirect_dma source(%dma_start3A_319 : memref<365x128xf32, #tpu.memory_space<vmem_shared>>) target(%arg6 : memref<128x128xf32, #tpu.memory_space<vmem>>) offsets(%arg12 : memref<128xi32, #tpu.memory_space<vmem>>) semaphore(%arg30 : memref<!tpu.dma_semaphore, #tpu.memory_space<semaphore_mem>>) {add = true}
      } else {
      }
      %dma_wait3A_256 = arith.constant 0 : i32
      %dma_wait3A_257 = arith.constant 0 : i32
      %dma_wait3A_258 = tpu.memref_slice %arg42[%dma_wait3A_256, %dma_wait3A_257] : memref<365x128xf32, #tpu.memory_space<vmem_shared>> -> memref<365x128xf32, #tpu.memory_space<vmem_shared>>
      tpu.wait_indirect_dma semaphore(%arg34 : memref<!tpu.dma_semaphore, #tpu.memory_space<semaphore_mem>>) src(%dma_wait3A_258 : memref<365x128xf32, #tpu.memory_space<vmem_shared>>) dst(%arg10 : memref<128x128xf32, #tpu.memory_space<vmem>>)
      %mul3A_259 = arith.constant 128 : i32
      %mul3A_260 = arith.muli %add3A_248, %mul3A_259 : i32
      %add3A_261 = arith.addi %mul3A_2, %mul3A_260 : i32
      %dma_start3A_262 = arith.constant 0 : i32
      %dma_start3A_263 = tpu.memref_slice %arg5[%add3A_261, %dma_start3A_262] : memref<204800x128xf32, #tpu.memory_space<hbm>> -> memref<128x128xf32, #tpu.memory_space<hbm>>
      %dma_start3A_264 = arith.constant 0 : i32
      %dma_start3A_265 = tpu.memref_slice %arg5[%add3A_261, %dma_start3A_264] : memref<204800x128xf32, #tpu.memory_space<hbm>> -> memref<128x128xf32, #tpu.memory_space<hbm>>
      tpu.enqueue_dma source(%arg10 : memref<128x128xf32, #tpu.memory_space<vmem>>) target(%dma_start3A_265 : memref<128x128xf32, #tpu.memory_space<hbm>>) target_semaphore(%arg40 : memref<!tpu.dma_semaphore, #tpu.memory_space<semaphore_mem>>)
      %ge3A_266 = arith.constant 1 : i32
      %ge3A_267 = arith.cmpi sge, %add3A_248, %ge3A_266 : i32
      %add3A_268 = arith.constant 6 : i32
      %add3A_269 = arith.addi %add3A_248, %add3A_268 : i32
      %sub3A_270 = arith.constant 1 : i32
      %sub3A_271 = arith.subi %add3A_269, %sub3A_270 : i32
      %lt3A_272 = arith.constant 50 : i32
      %lt3A_273 = arith.cmpi slt, %sub3A_271, %lt3A_272 : i32
      %and3A_274 = arith.andi %ge3A_267, %lt3A_273 : i1
      %convert_element_type3A_275 = arith.extui %and3A_274 : i1 to i32
      %cond3A_276 = arith.constant 0 : i32
      %cond3A_277 = arith.cmpi ne, %convert_element_type3A_275, %cond3A_276 : i32
      scf.if %cond3A_277 {
        %dma_wait3A_311 = arith.constant 0 : i32
        %dma_wait3A_312 = tpu.memref_slice %arg5[%mul3A_2, %dma_wait3A_311] : memref<204800x128xf32, #tpu.memory_space<hbm>> -> memref<128x128xf32, #tpu.memory_space<hbm>>
        %dma_wait3A_313 = arith.constant 0 : i32
        %dma_wait3A_314 = tpu.memref_slice %arg5[%mul3A_2, %dma_wait3A_313] : memref<204800x128xf32, #tpu.memory_space<hbm>> -> memref<128x128xf32, #tpu.memory_space<hbm>>
        tpu.wait_dma2 semaphore(%arg39 : memref<!tpu.dma_semaphore, #tpu.memory_space<semaphore_mem>>) src(%arg9 : memref<128x128xf32, #tpu.memory_space<vmem>>) dst(%dma_wait3A_314 : memref<128x128xf32, #tpu.memory_space<hbm>>)
        %add3A_315 = arith.constant 6 : i32
        %add3A_316 = arith.addi %add3A_248, %add3A_315 : i32
        %sub3A_317 = arith.constant 1 : i32
        %sub3A_318 = arith.subi %add3A_316, %sub3A_317 : i32
        %mul3A_319 = arith.constant 128 : i32
        %mul3A_320 = arith.muli %sub3A_318, %mul3A_319 : i32
        %add3A_321 = arith.addi %mul3A_2, %mul3A_320 : i32
        %dma_start3A_322 = arith.constant 0 : i32
        %dma_start3A_323 = tpu.memref_slice %arg2[%add3A_321, %dma_start3A_322] : memref<204800x128xf32, #tpu.memory_space<hbm>> -> memref<128x128xf32, #tpu.memory_space<hbm>>
        %dma_start3A_324 = arith.constant 0 : i32
        %dma_start3A_325 = tpu.memref_slice %arg2[%add3A_321, %dma_start3A_324] : memref<204800x128xf32, #tpu.memory_space<hbm>> -> memref<128x128xf32, #tpu.memory_space<hbm>>
        tpu.enqueue_dma source(%dma_start3A_325 : memref<128x128xf32, #tpu.memory_space<hbm>>) target(%arg9 : memref<128x128xf32, #tpu.memory_space<vmem>>) target_semaphore(%arg21 : memref<!tpu.dma_semaphore, #tpu.memory_space<semaphore_mem>>)
        %dma_start3A_326 = tpu.memref_slice %arg3[%add3A_321] : memref<204800xi32, #tpu.memory_space<hbm>> -> memref<128xi32, #tpu.memory_space<hbm>>
        %dma_start3A_327 = tpu.memref_slice %arg3[%add3A_321] : memref<204800xi32, #tpu.memory_space<hbm>> -> memref<128xi32, #tpu.memory_space<hbm>>
        tpu.enqueue_dma source(%dma_start3A_327 : memref<128xi32, #tpu.memory_space<hbm>>) target(%arg15 : memref<128xi32, #tpu.memory_space<vmem>>) target_semaphore(%arg27 : memref<!tpu.dma_semaphore, #tpu.memory_space<semaphore_mem>>)
      } else {
      }
      %mul3A_278 = arith.constant 6 : i32
      %mul3A_279 = arith.muli %scan3A_116, %mul3A_278 : i32
      %add3A_280 = arith.constant 5 : i32
      %add3A_281 = arith.addi %mul3A_279, %add3A_280 : i32
      %add3A_282 = arith.constant 2 : i32
      %add3A_283 = arith.addi %add3A_281, %add3A_282 : i32
      %lt3A_284 = arith.constant 50 : i32
      %lt3A_285 = arith.cmpi slt, %add3A_283, %lt3A_284 : i32
      %convert_element_type3A_286 = arith.extui %lt3A_285 : i1 to i32
      %cond3A_287 = arith.constant 0 : i32
      %cond3A_288 = arith.cmpi ne, %convert_element_type3A_286, %cond3A_287 : i32
      scf.if %cond3A_288 {
        %dma_wait3A_311 = arith.constant 0 : i32
        %dma_wait3A_312 = tpu.memref_slice %arg2[%mul3A_2, %dma_wait3A_311] : memref<204800x128xf32, #tpu.memory_space<hbm>> -> memref<128x128xf32, #tpu.memory_space<hbm>>
        %dma_wait3A_313 = arith.constant 0 : i32
        %dma_wait3A_314 = tpu.memref_slice %arg2[%mul3A_2, %dma_wait3A_313] : memref<204800x128xf32, #tpu.memory_space<hbm>> -> memref<128x128xf32, #tpu.memory_space<hbm>>
        tpu.wait_dma2 semaphore(%arg19 : memref<!tpu.dma_semaphore, #tpu.memory_space<semaphore_mem>>) src(%dma_wait3A_314 : memref<128x128xf32, #tpu.memory_space<hbm>>) dst(%arg7 : memref<128x128xf32, #tpu.memory_space<vmem>>)
        %dma_wait3A_315 = tpu.memref_slice %arg3[%mul3A_2] : memref<204800xi32, #tpu.memory_space<hbm>> -> memref<128xi32, #tpu.memory_space<hbm>>
        %dma_wait3A_316 = tpu.memref_slice %arg3[%mul3A_2] : memref<204800xi32, #tpu.memory_space<hbm>> -> memref<128xi32, #tpu.memory_space<hbm>>
        tpu.wait_dma2 semaphore(%arg25 : memref<!tpu.dma_semaphore, #tpu.memory_space<semaphore_mem>>) src(%dma_wait3A_316 : memref<128xi32, #tpu.memory_space<hbm>>) dst(%arg13 : memref<128xi32, #tpu.memory_space<vmem>>)
        %dma_start3A_317 = arith.constant 0 : i32
        %dma_start3A_318 = arith.constant 0 : i32
        %dma_start3A_319 = tpu.memref_slice %arg42[%dma_start3A_317, %dma_start3A_318] : memref<365x128xf32, #tpu.memory_space<vmem_shared>> -> memref<365x128xf32, #tpu.memory_space<vmem_shared>>
        tpu.enqueue_indirect_dma source(%dma_start3A_319 : memref<365x128xf32, #tpu.memory_space<vmem_shared>>) target(%arg7 : memref<128x128xf32, #tpu.memory_space<vmem>>) offsets(%arg13 : memref<128xi32, #tpu.memory_space<vmem>>) semaphore(%arg31 : memref<!tpu.dma_semaphore, #tpu.memory_space<semaphore_mem>>) {add = true}
      } else {
      }
      %dma_wait3A_289 = arith.constant 0 : i32
      %dma_wait3A_290 = arith.constant 0 : i32
      %dma_wait3A_291 = tpu.memref_slice %arg42[%dma_wait3A_289, %dma_wait3A_290] : memref<365x128xf32, #tpu.memory_space<vmem_shared>> -> memref<365x128xf32, #tpu.memory_space<vmem_shared>>
      tpu.wait_indirect_dma semaphore(%arg35 : memref<!tpu.dma_semaphore, #tpu.memory_space<semaphore_mem>>) src(%dma_wait3A_291 : memref<365x128xf32, #tpu.memory_space<vmem_shared>>) dst(%arg11 : memref<128x128xf32, #tpu.memory_space<vmem>>)
      %mul3A_292 = arith.constant 128 : i32
      %mul3A_293 = arith.muli %add3A_281, %mul3A_292 : i32
      %add3A_294 = arith.addi %mul3A_2, %mul3A_293 : i32
      %dma_start3A_295 = arith.constant 0 : i32
      %dma_start3A_296 = tpu.memref_slice %arg5[%add3A_294, %dma_start3A_295] : memref<204800x128xf32, #tpu.memory_space<hbm>> -> memref<128x128xf32, #tpu.memory_space<hbm>>
      %dma_start3A_297 = arith.constant 0 : i32
      %dma_start3A_298 = tpu.memref_slice %arg5[%add3A_294, %dma_start3A_297] : memref<204800x128xf32, #tpu.memory_space<hbm>> -> memref<128x128xf32, #tpu.memory_space<hbm>>
      tpu.enqueue_dma source(%arg11 : memref<128x128xf32, #tpu.memory_space<vmem>>) target(%dma_start3A_298 : memref<128x128xf32, #tpu.memory_space<hbm>>) target_semaphore(%arg41 : memref<!tpu.dma_semaphore, #tpu.memory_space<semaphore_mem>>)
      %ge3A_299 = arith.constant 1 : i32
      %ge3A_300 = arith.cmpi sge, %add3A_281, %ge3A_299 : i32
      %add3A_301 = arith.constant 6 : i32
      %add3A_302 = arith.addi %add3A_281, %add3A_301 : i32
      %sub3A_303 = arith.constant 1 : i32
      %sub3A_304 = arith.subi %add3A_302, %sub3A_303 : i32
      %lt3A_305 = arith.constant 50 : i32
      %lt3A_306 = arith.cmpi slt, %sub3A_304, %lt3A_305 : i32
      %and3A_307 = arith.andi %ge3A_300, %lt3A_306 : i1
      %convert_element_type3A_308 = arith.extui %and3A_307 : i1 to i32
      %cond3A_309 = arith.constant 0 : i32
      %cond3A_310 = arith.cmpi ne, %convert_element_type3A_308, %cond3A_309 : i32
      scf.if %cond3A_310 {
        %dma_wait3A_311 = arith.constant 0 : i32
        %dma_wait3A_312 = tpu.memref_slice %arg5[%mul3A_2, %dma_wait3A_311] : memref<204800x128xf32, #tpu.memory_space<hbm>> -> memref<128x128xf32, #tpu.memory_space<hbm>>
        %dma_wait3A_313 = arith.constant 0 : i32
        %dma_wait3A_314 = tpu.memref_slice %arg5[%mul3A_2, %dma_wait3A_313] : memref<204800x128xf32, #tpu.memory_space<hbm>> -> memref<128x128xf32, #tpu.memory_space<hbm>>
        tpu.wait_dma2 semaphore(%arg40 : memref<!tpu.dma_semaphore, #tpu.memory_space<semaphore_mem>>) src(%arg10 : memref<128x128xf32, #tpu.memory_space<vmem>>) dst(%dma_wait3A_314 : memref<128x128xf32, #tpu.memory_space<hbm>>)
        %add3A_315 = arith.constant 6 : i32
        %add3A_316 = arith.addi %add3A_281, %add3A_315 : i32
        %sub3A_317 = arith.constant 1 : i32
        %sub3A_318 = arith.subi %add3A_316, %sub3A_317 : i32
        %mul3A_319 = arith.constant 128 : i32
        %mul3A_320 = arith.muli %sub3A_318, %mul3A_319 : i32
        %add3A_321 = arith.addi %mul3A_2, %mul3A_320 : i32
        %dma_start3A_322 = arith.constant 0 : i32
        %dma_start3A_323 = tpu.memref_slice %arg2[%add3A_321, %dma_start3A_322] : memref<204800x128xf32, #tpu.memory_space<hbm>> -> memref<128x128xf32, #tpu.memory_space<hbm>>
        %dma_start3A_324 = arith.constant 0 : i32
        %dma_start3A_325 = tpu.memref_slice %arg2[%add3A_321, %dma_start3A_324] : memref<204800x128xf32, #tpu.memory_space<hbm>> -> memref<128x128xf32, #tpu.memory_space<hbm>>
        tpu.enqueue_dma source(%dma_start3A_325 : memref<128x128xf32, #tpu.memory_space<hbm>>) target(%arg10 : memref<128x128xf32, #tpu.memory_space<vmem>>) target_semaphore(%arg22 : memref<!tpu.dma_semaphore, #tpu.memory_space<semaphore_mem>>)
        %dma_start3A_326 = tpu.memref_slice %arg3[%add3A_321] : memref<204800xi32, #tpu.memory_space<hbm>> -> memref<128xi32, #tpu.memory_space<hbm>>
        %dma_start3A_327 = tpu.memref_slice %arg3[%add3A_321] : memref<204800xi32, #tpu.memory_space<hbm>> -> memref<128xi32, #tpu.memory_space<hbm>>
        tpu.enqueue_dma source(%dma_start3A_327 : memref<128xi32, #tpu.memory_space<hbm>>) target(%arg16 : memref<128xi32, #tpu.memory_space<vmem>>) target_semaphore(%arg28 : memref<!tpu.dma_semaphore, #tpu.memory_space<semaphore_mem>>)
      } else {
      }
    }
    %scan3A_73 = arith.constant 8 : i32
    %dma_wait3A_74 = arith.constant 0 : i32
    %dma_wait3A_75 = arith.constant 0 : i32
    %dma_wait3A_76 = tpu.memref_slice %arg42[%dma_wait3A_74, %dma_wait3A_75] : memref<365x128xf32, #tpu.memory_space<vmem_shared>> -> memref<365x128xf32, #tpu.memory_space<vmem_shared>>
    tpu.wait_indirect_dma semaphore(%arg30 : memref<!tpu.dma_semaphore, #tpu.memory_space<semaphore_mem>>) src(%dma_wait3A_76 : memref<365x128xf32, #tpu.memory_space<vmem_shared>>) dst(%arg6 : memref<128x128xf32, #tpu.memory_space<vmem>>)
    %add3A_77 = arith.constant 6144 : i32
    %add3A_78 = arith.addi %mul3A_2, %add3A_77 : i32
    %dma_start3A_79 = arith.constant 0 : i32
    %dma_start3A_80 = tpu.memref_slice %arg5[%add3A_78, %dma_start3A_79] : memref<204800x128xf32, #tpu.memory_space<hbm>> -> memref<128x128xf32, #tpu.memory_space<hbm>>
    %dma_start3A_81 = arith.constant 0 : i32
    %dma_start3A_82 = tpu.memref_slice %arg5[%add3A_78, %dma_start3A_81] : memref<204800x128xf32, #tpu.memory_space<hbm>> -> memref<128x128xf32, #tpu.memory_space<hbm>>
    tpu.enqueue_dma source(%arg6 : memref<128x128xf32, #tpu.memory_space<vmem>>) target(%dma_start3A_82 : memref<128x128xf32, #tpu.memory_space<hbm>>) target_semaphore(%arg36 : memref<!tpu.dma_semaphore, #tpu.memory_space<semaphore_mem>>)
    %dma_wait3A_83 = arith.constant 0 : i32
    %dma_wait3A_84 = arith.constant 0 : i32
    %dma_wait3A_85 = tpu.memref_slice %arg42[%dma_wait3A_83, %dma_wait3A_84] : memref<365x128xf32, #tpu.memory_space<vmem_shared>> -> memref<365x128xf32, #tpu.memory_space<vmem_shared>>
    tpu.wait_indirect_dma semaphore(%arg31 : memref<!tpu.dma_semaphore, #tpu.memory_space<semaphore_mem>>) src(%dma_wait3A_85 : memref<365x128xf32, #tpu.memory_space<vmem_shared>>) dst(%arg7 : memref<128x128xf32, #tpu.memory_space<vmem>>)
    %add3A_86 = arith.constant 6272 : i32
    %add3A_87 = arith.addi %mul3A_2, %add3A_86 : i32
    %dma_start3A_88 = arith.constant 0 : i32
    %dma_start3A_89 = tpu.memref_slice %arg5[%add3A_87, %dma_start3A_88] : memref<204800x128xf32, #tpu.memory_space<hbm>> -> memref<128x128xf32, #tpu.memory_space<hbm>>
    %dma_start3A_90 = arith.constant 0 : i32
    %dma_start3A_91 = tpu.memref_slice %arg5[%add3A_87, %dma_start3A_90] : memref<204800x128xf32, #tpu.memory_space<hbm>> -> memref<128x128xf32, #tpu.memory_space<hbm>>
    tpu.enqueue_dma source(%arg7 : memref<128x128xf32, #tpu.memory_space<vmem>>) target(%dma_start3A_91 : memref<128x128xf32, #tpu.memory_space<hbm>>) target_semaphore(%arg37 : memref<!tpu.dma_semaphore, #tpu.memory_space<semaphore_mem>>)
    %dma_wait3A_92 = arith.constant 0 : i32
    %dma_wait3A_93 = tpu.memref_slice %arg5[%mul3A_2, %dma_wait3A_92] : memref<204800x128xf32, #tpu.memory_space<hbm>> -> memref<128x128xf32, #tpu.memory_space<hbm>>
    %dma_wait3A_94 = arith.constant 0 : i32
    %dma_wait3A_95 = tpu.memref_slice %arg5[%mul3A_2, %dma_wait3A_94] : memref<204800x128xf32, #tpu.memory_space<hbm>> -> memref<128x128xf32, #tpu.memory_space<hbm>>
    tpu.wait_dma2 semaphore(%arg36 : memref<!tpu.dma_semaphore, #tpu.memory_space<semaphore_mem>>) src(%arg6 : memref<128x128xf32, #tpu.memory_space<vmem>>) dst(%dma_wait3A_95 : memref<128x128xf32, #tpu.memory_space<hbm>>)
    %dma_wait3A_96 = arith.constant 0 : i32
    %dma_wait3A_97 = tpu.memref_slice %arg5[%mul3A_2, %dma_wait3A_96] : memref<204800x128xf32, #tpu.memory_space<hbm>> -> memref<128x128xf32, #tpu.memory_space<hbm>>
    %dma_wait3A_98 = arith.constant 0 : i32
    %dma_wait3A_99 = tpu.memref_slice %arg5[%mul3A_2, %dma_wait3A_98] : memref<204800x128xf32, #tpu.memory_space<hbm>> -> memref<128x128xf32, #tpu.memory_space<hbm>>
    tpu.wait_dma2 semaphore(%arg37 : memref<!tpu.dma_semaphore, #tpu.memory_space<semaphore_mem>>) src(%arg7 : memref<128x128xf32, #tpu.memory_space<vmem>>) dst(%dma_wait3A_99 : memref<128x128xf32, #tpu.memory_space<hbm>>)
    %dma_wait3A_100 = arith.constant 0 : i32
    %dma_wait3A_101 = tpu.memref_slice %arg5[%mul3A_2, %dma_wait3A_100] : memref<204800x128xf32, #tpu.memory_space<hbm>> -> memref<128x128xf32, #tpu.memory_space<hbm>>
    %dma_wait3A_102 = arith.constant 0 : i32
    %dma_wait3A_103 = tpu.memref_slice %arg5[%mul3A_2, %dma_wait3A_102] : memref<204800x128xf32, #tpu.memory_space<hbm>> -> memref<128x128xf32, #tpu.memory_space<hbm>>
    tpu.wait_dma2 semaphore(%arg38 : memref<!tpu.dma_semaphore, #tpu.memory_space<semaphore_mem>>) src(%arg8 : memref<128x128xf32, #tpu.memory_space<vmem>>) dst(%dma_wait3A_103 : memref<128x128xf32, #tpu.memory_space<hbm>>)
    %dma_wait3A_104 = arith.constant 0 : i32
    %dma_wait3A_105 = tpu.memref_slice %arg5[%mul3A_2, %dma_wait3A_104] : memref<204800x128xf32, #tpu.memory_space<hbm>> -> memref<128x128xf32, #tpu.memory_space<hbm>>
    %dma_wait3A_106 = arith.constant 0 : i32
    %dma_wait3A_107 = tpu.memref_slice %arg5[%mul3A_2, %dma_wait3A_106] : memref<204800x128xf32, #tpu.memory_space<hbm>> -> memref<128x128xf32, #tpu.memory_space<hbm>>
    tpu.wait_dma2 semaphore(%arg39 : memref<!tpu.dma_semaphore, #tpu.memory_space<semaphore_mem>>) src(%arg9 : memref<128x128xf32, #tpu.memory_space<vmem>>) dst(%dma_wait3A_107 : memref<128x128xf32, #tpu.memory_space<hbm>>)
    %dma_wait3A_108 = arith.constant 0 : i32
    %dma_wait3A_109 = tpu.memref_slice %arg5[%mul3A_2, %dma_wait3A_108] : memref<204800x128xf32, #tpu.memory_space<hbm>> -> memref<128x128xf32, #tpu.memory_space<hbm>>
    %dma_wait3A_110 = arith.constant 0 : i32
    %dma_wait3A_111 = tpu.memref_slice %arg5[%mul3A_2, %dma_wait3A_110] : memref<204800x128xf32, #tpu.memory_space<hbm>> -> memref<128x128xf32, #tpu.memory_space<hbm>>
    tpu.wait_dma2 semaphore(%arg40 : memref<!tpu.dma_semaphore, #tpu.memory_space<semaphore_mem>>) src(%arg10 : memref<128x128xf32, #tpu.memory_space<vmem>>) dst(%dma_wait3A_111 : memref<128x128xf32, #tpu.memory_space<hbm>>)
    %dma_wait3A_112 = arith.constant 0 : i32
    %dma_wait3A_113 = tpu.memref_slice %arg5[%mul3A_2, %dma_wait3A_112] : memref<204800x128xf32, #tpu.memory_space<hbm>> -> memref<128x128xf32, #tpu.memory_space<hbm>>
    %dma_wait3A_114 = arith.constant 0 : i32
    %dma_wait3A_115 = tpu.memref_slice %arg5[%mul3A_2, %dma_wait3A_114] : memref<204800x128xf32, #tpu.memory_space<hbm>> -> memref<128x128xf32, #tpu.memory_space<hbm>>
    tpu.wait_dma2 semaphore(%arg41 : memref<!tpu.dma_semaphore, #tpu.memory_space<semaphore_mem>>) src(%arg11 : memref<128x128xf32, #tpu.memory_space<vmem>>) dst(%dma_wait3A_115 : memref<128x128xf32, #tpu.memory_space<hbm>>)
    return
  }
}

</mosaic_0001>

<sc_bundles>
// kernel: kernel.3.cloned.1.call-start
scs
__scs_entry_jumppad:
0x0: {  	(pc) =	sbr.rel $0x88, $3  }
0x1: {  	(tag) =	ssettag $0x0;
	lr =	simm.s32 $0x1  }
0x2: {  	[smem:$0x3F9E] =	sst lr;
	_ =	strace $0xD0000000  }
0x3: {  	_ = 	snop  }
0x4: {  	_ = 	snop  }
0x5: {  	_ = 	snop  }
0x6: {  	_ = 	snop  }
0x7: {  	_ = 	snop  }
__scs_overlays_trampoline_lowered:
0x8: {  	[smem:$0x3FAD] =	sst s0  }
0x9: {  	[smem:$0x3FAE] =	sst s1  }
0xa: {  	[smem:$0x3FAF] =	sst s2  }
0xb: {  	[smem:$0x3FB0] =	sst s3  }
0xc: {  	[smem:$0x3FB1] =	sst s4  }
0xd: {  	[smem:$0x3FB2] =	sst s5  }
0xe: {  	[smem:$0x3FB3] =	sst s6  }
0xf: {  	[smem:$0x3FB4] =	sst s7  }
0x10: {  	[smem:$0x3FB5] =	sst s8  }
0x11: {  	[smem:$0x3FB6] =	sst s9;
	s0 =	simm.s32 @!p0 $0x0  }
0x12: {  	s1 =	sld [smem:$0x3F9C];
	s0 =	simm.s32 @p0 $0x1  }
0x13: {  	[smem:$0x3FB7] =	sst s0;
	s0 =	simm.s32 @!p1 $0x0  }
0x14: {  	s2 =	sld [smem:$0x3F9B];
	s0 =	simm.s32 @p1 $0x1  }
0x15: {  	[smem:$0x3FB8] =	sst s0;
	s0 =	simm.s32 @!p2 $0x0  }
0x16: {  	s3 =	sld [smem:$0x3FDB];
	s0 =	simm.s32 @p2 $0x1  }
0x17: {  	s4 =	simm.s32 $0x1BF5;
	[smem:$0x3FBA] =	sst s0  }
0x18: {  	s0 =	sld [smem:$0x3F9D];
	_ =	swait.ge [sflag:s4], $0x0  }
0x19: {  	s7 =	sld [smem:$0x3F9E]  }
0x1a: {  	s8 =	sadd.s32 $0xFFFFE003, lr  }
0x1b: {  	s9 =	sadd.s32 $0xFFFFFEF7, lr;
	s5 =	simm.s32 $0xFFFFFFFF;
	p2 =	slt.u32 s8, $0xFFFFF086  }
0x1c: {  	p1 =	slt.u32 s9, $0xF7A;
	s5 =	simm.s32 @!p2 $0x0  }
0x1d: {  	s5 =	simm.s32 @p1 $0x1;
	p0 =	seq.s32 s7, s2  }
0x1e: {  	s7 =	smul.u32 @!p0 $0xF7A, s2;
	p2 =	seq.s32 @!p0 s5, $0x0  }
0x1f: {  	s9 =	smul.u32 $0xF7A, s1;
	s8 =	simm.s32 @!p0 $0x1BF5;
	p2 =	por !p2, p0  }
0x20: {  	[sflag:s8] =	ssyncset.s32 @!p0 $0xFFFFF086;
	s6 =	sadd.s32 @!p0 s3, s7;
	s7 =	simm.s32 @!p0 $0x108  }
0x21: {  	s3 =	sadd.s32 s3, s9;
	s6 =	sadd.s32 @!p0 $0x88, s6;
	s7 =	simm.s32 @p2 $0x1082  }
0x22: {  	[simem:s7], [sflag:s8] =	dma.local @!p0 [hbm:s6], $0xF7A  }
0x23: {  	s9 =	sor.u32 $0xD0000000, s2;
	s6 =	simm.s32 $0x108;
	_ =	swait.ge @!p0 [sflag:s8], $0x0  }
0x24: {  	s3 =	sadd.s32 $0x88, s3;
	s6 =	simm.s32 @!p1 $0x1082;
	[sflag:s4] =	ssyncset.s32 $0xFFFFF086  }
0x25: {  	[simem:s6], [sflag:s4] =	dma.local [hbm:s3], $0xF7A  }
0x26: {  	[smem:$0x3F9E] =	sst s1;
	(tag) =	ssettag s2;
	_ =	strace s9  }
0x27: {  	s1 =	sld [smem:$0x3FAE]  }
0x28: {  	s2 =	sld [smem:$0x3FAF]  }
0x29: {  	s4 =	sld [smem:$0x3FB1]  }
0x2a: {  	p0 =	seq.s32 s5, $0x0;
	s5 =	sld [smem:$0x3FB2]  }
0x2b: {  	s6 =	sld [smem:$0x3FB3]  }
0x2c: {  	s7 =	sld [smem:$0x3FB4]  }
0x2d: {  	s3 =	simm.s32 $0x108;
	s8 =	sld [smem:$0x3FB5]  }
0x2e: {  	s3 =	simm.s32 @!p0 $0x1082;
	s9 =	sld [smem:$0x3FB6]  }
0x2f: {  	lr =	sadd.s32 s0, s3;
	s0 =	sld [smem:$0x3FAD]  }
0x30: {  	s3 =	sld [smem:$0x3FB0]  }
0x31: {  	[smem:$0x3FB9] =	sst s10  }
0x32: {  	s10 =	sld [smem:$0x3FB7];
	_ =	sdelay $0x3  }
0x33: {  	p0 =	seq.s32 s10, $0x1;
	s10 =	sld [smem:$0x3FB9];
	_ =	sdelay $0x3  }
0x34: {  	[smem:$0x3FB9] =	sst s10  }
0x35: {  	s10 =	sld [smem:$0x3FB8];
	_ =	sdelay $0x3  }
0x36: {  	p1 =	seq.s32 s10, $0x1;
	s10 =	sld [smem:$0x3FB9];
	_ =	sdelay $0x3  }
0x37: {  	[smem:$0x3FB9] =	sst s10  }
0x38: {  	s10 =	sld [smem:$0x3FBA]  }
0x39: {  	_ = 	snop;
	(pc) =	sbr.ind lr, $3  }
0x3a: {  	_ = 	snop  }
0x3b: {  	_ = 	snop  }
0x3c: {  	p2 =	seq.s32 s10, $0x1;
	s10 =	sld [smem:$0x3FB9]  }
0x3d: {  	_ =	shalt  }
0x3e: {  	_ =	shalt  }
0x3f: {  	_ =	shalt  }
0x40: {  	_ =	shalt  }
0x41: {  	_ =	shalt  }
0x42: {  	_ =	shalt  }
0x43: {  	_ =	shalt  }
0x44: {  	_ =	shalt  }
0x45: {  	_ =	shalt  }
0x46: {  	_ =	shalt  }
0x47: {  	_ =	shalt  }
0x48: {  	_ =	shalt  }
0x49: {  	_ =	shalt  }
0x4a: {  	_ =	shalt  }
0x4b: {  	_ =	shalt  }
0x4c: {  	_ =	shalt  }
0x4d: {  	_ =	shalt  }
0x4e: {  	_ =	shalt  }
0x4f: {  	_ =	shalt  }
0x50: {  	_ =	shalt  }
0x51: {  	_ =	shalt  }
0x52: {  	_ =	shalt  }
0x53: {  	_ =	shalt  }
0x54: {  	_ =	shalt  }
0x55: {  	_ =	shalt  }
0x56: {  	_ =	shalt  }
0x57: {  	_ =	shalt  }
0x58: {  	_ =	shalt  }
0x59: {  	_ =	shalt  }
0x5a: {  	_ =	shalt  }
0x5b: {  	_ =	shalt  }
0x5c: {  	_ =	shalt  }
0x5d: {  	_ =	shalt  }
0x5e: {  	_ =	shalt  }
0x5f: {  	_ =	shalt  }
0x60: {  	_ =	shalt  }
0x61: {  	_ =	shalt  }
0x62: {  	_ =	shalt  }
0x63: {  	_ =	shalt  }
0x64: {  	_ =	shalt  }
0x65: {  	_ =	shalt  }
0x66: {  	_ =	shalt  }
0x67: {  	_ =	shalt  }
0x68: {  	_ =	shalt  }
0x69: {  	_ =	shalt  }
0x6a: {  	_ =	shalt  }
0x6b: {  	_ =	shalt  }
0x6c: {  	_ =	shalt  }
0x6d: {  	_ =	shalt  }
0x6e: {  	_ =	shalt  }
0x6f: {  	_ =	shalt  }
0x70: {  	_ =	shalt  }
0x71: {  	_ =	shalt  }
0x72: {  	_ =	shalt  }
0x73: {  	_ =	shalt  }
0x74: {  	_ =	shalt  }
0x75: {  	_ =	shalt  }
0x76: {  	_ =	shalt  }
0x77: {  	_ =	shalt  }
0x78: {  	_ =	shalt  }
0x79: {  	_ =	shalt  }
0x7a: {  	_ =	shalt  }
0x7b: {  	_ =	shalt  }
0x7c: {  	_ =	shalt  }
0x7d: {  	_ =	shalt  }
0x7e: {  	_ =	shalt  }
0x7f: {  	_ =	shalt  }
0x80: {  	_ =	shalt  }
0x81: {  	_ =	shalt  }
0x82: {  	_ =	shalt  }
0x83: {  	_ =	shalt  }
0x84: {  	_ =	shalt  }
0x85: {  	_ =	shalt  }
0x86: {  	_ =	shalt  }
0x87: {  	_ =	shalt  }
.Lfunc_end0:
.L_simem_size_0:
called_computation_lowered:
.L_overlay_start_0:
0x88: {  	s2 =	sld [smem:$0x3FD9]  }
0x89: {  	s3 =	sld [smem:$0x3FFE];
	_ =	sdelay $0x1  }
0x8a: {  	s1 =	srdreg.scid  }
0x8b: {  	s0 =	sand.u32 $0x1, s1  }
0x8c: {  	s17 =	sshll.u32 s0, $0xA;
	s2 =	sadd.s32 s3, s2  }
0x8d: {  	s2 =	sadd.s32 s2, s17  }
0x8e: {  	[smem:$0x3FC5] =	sst s2  }
0x8f: {  	_ = 	snop  }
0x90: {  	s2 =	sld [smem:$0x3FC9]  }
0x91: {  	s18 =	sld [smem:$0x3FC7]  }
0x92: {  	s4 =	sld [smem:$0x3FD0];
	(tm) =	ssettm $0x1  }
0x93: {  	s5 =	sld [smem:$0x3FFB];
	_ =	sdelay $0x3  }
0x94: {  	_ =	strace s5  }
0x95: {  	s5 =	sld [smem:$0x3FFC];
	_ =	sdelay $0x3  }
0x96: {  	_ =	strace s5  }
0x97: {  	s5 =	sld [smem:$0x3FFD];
	_ =	sdelay $0x3  }
0x98: {  	_ =	strace s5  }
0x99: {  	_ =	strace $0x8FFFFFFF  }
0x9a: {  	s19 =	sld [smem:$0x3FDB];
	_ =	sdelay $0x1  }
0x9b: {  	s6 =	simm.s32 $_scs_section_size  }
0x9c: {  	s7 =	simm.s32 $_size__tile_overlayer_lowered;
	s8 =	simm.s32 $_tile_overlayer_lowered  }
0x9d: {  	s22 =	simm.s32 $0x1BFF;
	s21 =	sshll.u32 s8, $0x1;
	s5 =	sadd.s32 s6, s19  }
0x9e: {  	s9 =	simm.s32 $0x0;
	s20 =	sshll.u32 s7, $0x1;
	s7 =	sadd.s32 s21, s5  }
0x9f: {  	[timem:s9], [sflag:s22] =	dma.local [hbm:s7], s20  }
0xa0: {  	_ =	swait.ge [sflag:s22], s20  }
0xa1: {  	s6 =	ssub.s32 $0x0, s20;
	[sflag:s22] =	ssyncset.done $0x0  }
0xa2: {  	[sflag:s22] =	ssyncadd.s32 s6;
	_ =	sdelay $0x1  }
0xa3: {  	s23 =	simm.s32 $0x1B8B  }
0xa4: {  	_ =	swait.ge [sflag:s23], $0x1  }
0xa5: {  	[sflag:s23] =	ssyncset.done $0x0  }
0xa6: {  	s25 =	simm.s32 $0x1B8E;
	s24 =	sld [smem:$0x3FFE];
	[sflag:s23] =	ssyncadd.s32 $0xFFFFFFFF  }
0xa7: {  	s26 =	simm.s32 $execute0_lowered;
	[smem:$0x3FD2] =	sst s25  }
0xa8: {  	s7 =	sshll.u32 s26, $0x1;
	_ =	strace $0x80000046;
	[dreg:$0x1] =	wrdreg $0xFFFFFFFF  }
0xa9: {  	s28 =	simm.s32 $_size_execute0_lowered;
	s5 =	sadd.s32 s5, s7;
	[dreg:$0x0] =	wrdreg $0x0  }
0xaa: {  	s7 =	sshll.u32 s28, $0x1;
	[dreg:$0x2] =	wrdreg s5  }
0xab: {  	[dreg:$0x3] =	wrdreg s7  }
0xac: {  	[dreg:$0x4] =	wrdreg $0xC0  }
0xad: {  	_ =	task [dreg:s9], $0x5FFFF  }
0xae: {  	[dreg:$0x1] =	wrdreg $0xFFFFFFFF  }
0xaf: {  	[dreg:$0x0] =	wrdreg $0x60  }
0xb0: {  	[dreg:$0x2] =	wrdreg s2  }
0xb1: {  	[dreg:$0x3] =	wrdreg s24  }
0xb2: {  	[dreg:$0x4] =	wrdreg s18  }
0xb3: {  	[dreg:$0x5] =	wrdreg s4  }
0xb4: {  	[dreg:$0x6] =	wrdreg $0x183000  }
0xb5: {  	[dreg:$0x7] =	wrdreg $0x9  }
0xb6: {  	_ =	task.clear_ibuf [dreg:s9], $0x8FFFF;
	_ =	strace $0x90000046  }
0xb7: {  	s29 =	simm.s32 $0x9;
	_ =	strace $0x80000048  }
0xb8: {  	_ =	swait.ge [sflag:s29], $0x1  }
0xb9: {  	[sflag:s29] =	ssyncadd.s32 $0xFFFFFFFF  }
0xba: {  	_ =	strace $0x90000048  }
0xbb: {  	_ =	sfence  }
0xbc: {  	s30 =	sld [smem:$0x0];
	_ =	sdelay $0x2  }
0xbd: {  	s31 =	sshll.u32 s1, $0xD;
	s1 =	sshrl.u32 s1, $0x2  }
0xbe: {  	s3 =	sand.u32 $0x4000, s31;
	s1 =	sadd.s32 s1, s30  }
0xbf: {  	s0 =	sor.u32 s3, s0;
	s1 =	sshll.u32 s1, $0x11  }
0xc0: {  	s0 =	sor.u32 s1, s0  }
0xc1: {  	s0 =	sadd.s32 $0x8F2B, s0  }
0xc2: {  	[sflag:s0] =	ssyncadd.remote.s32 $0x1  }
0xc3: {  	_ =	sfence.sel $0xFFFF  }
0xc4: {  	[dreg:$0x0] =	wrdreg $0xFFFFFFFF;
	(pc) =	sbr.abs _section_cstart, $3  }
0xc5: {  	[dreg:$0x1] =	wrdreg $0xFFFFFFFF  }
0xc6: {  	_ =	task.clear_ibuf [dreg:s9], $0x2FFFF;
	_ =	strace $0x9FFFFFFF  }
0xc7: {  	(tm) =	ssettm $0x7FFFFFFF  }
tec
execute0_lowered:
.L_overlay_start_1:
0x0: {  	(tag) =	ssettag $0x1  }
0x1: {  	s4 =	stileid.u32  }
0x2: {  	s0 =	srdreg.scid;
	s30 =	smul.u32 $0x190000, s4  }
0x3: {  	s3 =	rddreg [dreg:$0x0];
	s5 =	sand.u32 $0x1, s0;
	s19 =	smul.u32 $0x3200, s4  }
0x4: {  	s2 =	rddreg [dreg:$0x1];
	s17 =	smul.u32 $0xC8000, s5  }
0x5: {  	s7 =	rddreg [dreg:$0x3];
	s24 =	sshll.u32 s4, $0x1;
	s21 =	smul.u32 $0x1900, s5  }
0x6: {  	s6 =	sor.u32 s5, s24;
	s25 =	ssub.s32 $0x2, s5;
	s5 =	smul.u32 $0x19000, s5  }
0x7: {  	s1 =	simm.s32 $0x0;
	s31 =	simm.s32 $0x18200;
	s9 =	smul.u32 $0x1900, s6  }
0x8: {  	[smem:$0x7FF] =	sst s1;
	s8 =	smul.u32 $0x19000, s6;
	s10 =	sshrl.u32 s25, $0x1  }
0x9: {  	p0 =	sne.s32 s4, $0x0;
	s6 =	smul.u32 $0xC8000, s6;
	s0 =	ssub.s32 s25, s10  }
0xa: {  	s20 =	sadd.s32 s17, s30;
	s19 =	sadd.s32 s21, s19;
	s8 =	sadd.s32 s3, s8  }
0xb: {  	s10 =	sor.u32 $0x80, s9;
	s11 =	sadd.s32 $0x100, s9;
	s12 =	sadd.s32 $0x180, s9  }
0xc: {  	s15 =	sadd.s32 $0x280, s9;
	s6 =	sshrl.u32 s6, $0x3;
	s17 =	sadd.s32 $0x10000, s20  }
0xd: {  	s22 =	sadd.s32 $0xC000, s20;
	s24 =	sadd.s32 $0x8000, s20;
	s21 =	sadd.s32 $0x480, s19  }
0xe: {  	s0 =	smax.u32 s0, $0x1;
	[dreg:$0x6] =	wrdreg s8;
	s26 =	sshll.u32 s10, $0x4  }
0xf: {  	s28 =	sshll.u32 s11, $0x4;
	s13 =	sshll.u32 s12, $0x4;
	s16 =	sshll.u32 s15, $0x4  }
0x10: {  	s6 =	sadd.s32 s7, s6;
	s17 =	sshrl.u32 s17, $0x3;
	s8 =	sadd.s32 s3, s26  }
0x11: {  	s29 =	sadd.s32 s3, s13;
	s13 =	sadd.s32 $0x200, s9;
	s18 =	sadd.s32 s3, s16  }
0x12: {  	s25 =	sadd.s32 s17, s7;
	s26 =	sshrl.u32 s22, $0x3;
	[dreg:$0x7] =	wrdreg s8  }
0x13: {  	s16 =	sshrl.u32 s15, $0x3;
	s17 =	sadd.s32 $0x18000, s6;
	[dreg:$0x9] =	wrdreg s29  }
0x14: {  	s15 =	simm.s32 $0xC;
	s8 =	sadd.s32 s3, s28;
	[dreg:$0xb] =	wrdreg s18  }
0x15: {  	s14 =	sshll.u32 s13, $0x4;
	s18 =	smul.u32 $0x32000, s4;
	[dreg:$0xd] =	wrdreg s25  }
0x16: {  	s28 =	sor.u32 $0x4000, s20;
	s29 =	sadd.s32 $0x14000, s20;
	s4 =	sadd.s32 $0x400, s2  }
0x17: {  	s20 =	sadd.s32 $0x18800, s6;
	[dreg:$0x8] =	wrdreg s8;
	s14 =	sadd.s32 s3, s14  }
0x18: {  	s25 =	sadd.s32 $0x380, s19;
	s6 =	simm.s32 $0xE;
	[dreg:$0xa] =	wrdreg s14  }
0x19: {  	s3 =	sadd.s32 s18, s3;
	s18 =	sadd.s32 s18, s7;
	s14 =	rddreg [dreg:$0x4]  }
0x1a: {  	s8 =	sadd.s32 s5, s3;
	s23 =	sadd.s32 s5, s18;
	s3 =	sshrl.u32 s24, $0x3  }
0x1b: {  	s30 =	sshrl.u32 s29, $0x3;
	[dreg:$0xc] =	wrdreg s23;
	s3 =	sadd.s32 s3, s7  }
0x1c: {  	s5 =	sadd.s32 s26, s7;
	[dreg:$0xf] =	wrdreg s3;
	s3 =	sshrl.u32 s28, $0x3  }
0x1d: {  	[dreg:$0xe] =	wrdreg s5;
	s5 =	sshrl.u32 s9, $0x3;
	s3 =	sadd.s32 s3, s7  }
0x1e: {  	s18 =	sadd.s32 $0x500, s19;
	s2 =	sadd.s32 s4, s5;
	[dreg:$0x10] =	wrdreg s3  }
0x1f: {  	s3 =	sadd.s32 s30, s7;
	s7 =	sshrl.u32 s10, $0x3;
	s10 =	sshrl.u32 s11, $0x3  }
0x20: {  	s11 =	sshrl.u32 s12, $0x3;
	s12 =	sshrl.u32 s13, $0x3;
	[dreg:$0x11] =	wrdreg s3  }
0x21: {  	s9 =	sadd.s32 s4, s7;
	_ =	strace $0x80000047;
	[dreg:$0x13] =	wrdreg s2  }
0x22: {  	s24 =	sadd.s32 $0x400, s19;
	s13 =	sadd.s32 s4, s12;
	[dreg:$0x14] =	wrdreg s9  }
0x23: {  	s26 =	sadd.s32 $0x280, s19;
	s23 =	sshrl.u32 s21, $0x3;
	[dreg:$0x17] =	wrdreg s13  }
0x24: {  	s29 =	sshrl.u32 s26, $0x3;
	s26 =	simm.s32 $0x18000;
	[dreg:$0x19] =	wrdreg s17  }
0x25: {  	s5 =	simm.s32 $0x12;
	s30 =	sadd.s32 $0x300, s19;
	[dreg:$0x1a] =	wrdreg s20  }
0x26: {  	s3 =	simm.s32 $0x0;
	s12 =	simm.s32 $0x14000;
	[dreg:$0x1b] =	wrdreg s0  }
0x27: {  	s2 =	sadd.s32 s4, s10;
	s0 =	sadd.s32 s23, s4;
	[smem:$0x7FC] =	sst s30  }
0x28: {  	[dreg:$0x12] =	wrdreg s4;
	s9 =	simm.s32 $0xC000;
	s10 =	simm.s32 $0x10000  }
0x29: {  	s13 =	simm.s32 $0x14000;
	s17 =	simm.s32 $0x11;
	[dreg:$0x15] =	wrdreg s2  }
0x2a: {  	s20 =	simm.s32 $0x17;
	s2 =	sadd.s32 s4, s11;
	[dreg:$0x1d] =	wrdreg s0  }
0x2b: {  	s0 =	sshrl.u32 s24, $0x3;
	s24 =	simm.s32 $0x4000;
	s11 =	simm.s32 $0x14  }
0x2c: {  	[dreg:$0x16] =	wrdreg s2;
	s2 =	sadd.s32 s4, s16;
	s0 =	sadd.s32 s0, s4  }
.Ltmp0:
0x2d: {  	s16 =	simm.s32 $0x10;
	[dreg:$0x18] =	wrdreg s2;
	(pc) =	sbr.rel .LBB2_1-.Ltmp0, $4  }
0x2e: {  	s2 =	sshrl.u32 s18, $0x3;
	[dreg:$0x1e] =	wrdreg s0;
	s0 =	sadd.s32 s29, s4  }
0x2f: {  	s22 =	sadd.s32 s2, s4;
	s2 =	sshrl.u32 s25, $0x3;
	[smem:$0x7FD] =	sst s0  }
0x30: {  	s18 =	simm.s32 $0x13;
	[dreg:$0x1c] =	wrdreg s22;
	s28 =	sadd.s32 s2, s4  }
0x31: {  	s25 =	simm.s32 $0x80;
	s22 =	simm.s32 $0x8000;
	[dreg:$0x1f] =	wrdreg s28  }
.LBB2_4:
0x32: {  	s0 =	simm.s32 $0xD  }
0x33: {  	_ =	swait.ge [sflag:s0], $0x4000  }
0x34: {  	[sflag:s0] =	ssyncset.done $0x0  }
0x35: {  	s21 =	rddreg [dreg:$0x19];
	[sflag:s0] =	ssyncadd.s32 $0xFFFFC000  }
0x36: {  	[hbm4b:s21+s1] =	stream.linear.scatter [tilespmem:s1], [sflag:$0x13], $0x4000, $0x38;
	[tilespmem:$0x18E68] =	vst v63  }
0x37: {  	_ =	swait.ge [sflag:s6], $0x4000  }
0x38: {  	[sflag:s6] =	ssyncset.done $0x0  }
0x39: {  	s23 =	rddreg [dreg:$0x1a];
	[sflag:s6] =	ssyncadd.s32 $0xFFFFC000  }
0x3a: {  	[hbm4b:s23+s1] =	stream.linear.scatter [tilespmem:s24], [sflag:$0x14], $0x4000, $0x38;
	[tilespmem:$0x18E68] =	vst v63  }
0x3b: {  	_ =	swait.ge [sflag:s18], $0x4000  }
0x3c: {  	[sflag:s18] =	ssyncset.done $0x0  }
0x3d: {  	[sflag:s18] =	ssyncadd.s32 $0xFFFFC000  }
0x3e: {  	_ =	swait.ge [sflag:s11], $0x4000  }
0x3f: {  	[sflag:s11] =	ssyncset.done $0x0  }
0x40: {  	s28 =	simm.s32 $0x15;
	[sflag:s11] =	ssyncadd.s32 $0xFFFFC000  }
0x41: {  	_ =	swait.ge [sflag:s28], $0x4000  }
0x42: {  	[sflag:s28] =	ssyncset.done $0x0  }
0x43: {  	s29 =	simm.s32 $0x16;
	[sflag:s28] =	ssyncadd.s32 $0xFFFFC000  }
0x44: {  	_ =	swait.ge [sflag:s29], $0x4000  }
0x45: {  	[sflag:s29] =	ssyncset.done $0x0  }
0x46: {  	[sflag:s29] =	ssyncadd.s32 $0xFFFFC000  }
0x47: {  	_ =	swait.ge [sflag:s20], $0x4000  }
0x48: {  	[sflag:s20] =	ssyncset.done $0x0  }
0x49: {  	s2 =	simm.s32 $0x18;
	[sflag:s20] =	ssyncadd.s32 $0xFFFFC000  }
0x4a: {  	_ =	swait.ge [sflag:s2], $0x4000  }
0x4b: {  	s3 =	sld [smem:$0x7FB];
	_ =	sdelay $0x2  }
0x4c: {  	s30 =	rddreg [dreg:$0x1b];
	s3 =	sadd.s32 $0x1, s3  }
0x4d: {  	p1 =	sne.s32 s3, s30  }
.Ltmp1:
0x4e: {  	_ = 	snop;
	(pc) =	sbr.rel @!p1 .LBB2_5-.Ltmp1, $3  }
0x4f: {  	_ =	sdelay $0x1  }
0x50: {  	[sflag:s2] =	ssyncset.done $0x0  }
0x51: {  	[sflag:s2] =	ssyncadd.s32 $0xFFFFC000  }
.LBB2_1:
0x52: {  	[smem:$0x7FB] =	sst s3  }
0x53: {  	s2 =	sshrl.u32 @!p0 s14, $0x3;
	s3 =	simm.s32 @!p0 $0x1C19;
	s0 =	rddreg [dreg:$0x2]  }
0x54: {  	[spmem:s2], [sflag:s3] =	dma.local @!p0 [hbm:s0], $0x16D0  }
0x55: {  	s2 =	simm.s32 @!p0 $0x19  }
0x56: {  	_ =	swait.ge @!p0 [sflag:s2], $0x16D0  }
0x57: {  	[sflag:s2] =	ssyncset.done @!p0 $0x0  }
0x58: {  	[sflag:s2] =	ssyncadd.s32 @!p0 $0xFFFFE930  }
0x59: {  	[bflag:$0x0] =	sbarrier.arrive $0xFFFF  }
0x5a: {  	s3 =	rddreg [dreg:$0x6]  }
0x5b: {  	[tilespmem:s1], [sflag:$0x1] =	stream.linear.gather [hbm4b:s3+s1], $0x4000, $0x38;
	[tilespmem:$0x18E68] =	vst v63  }
0x5c: {  	s2 =	simm.s32 $0x18000;
	s4 =	rddreg [dreg:$0x13]  }
0x5d: {  	[tilespmem:s2], [sflag:$0x7] =	stream.linear.gather [hbm4b:s4+s1], $0x80, $0x38;
	[tilespmem:$0x18E68] =	vst v63  }
0x5e: {  	s7 =	rddreg [dreg:$0x7]  }
0x5f: {  	[tilespmem:s24], [sflag:$0x2] =	stream.linear.gather [hbm4b:s7+s1], $0x4000, $0x38;
	[tilespmem:$0x18E68] =	vst v63  }
0x60: {  	s19 =	rddreg [dreg:$0x14];
	s3 =	simm.s32 $0x18080  }
0x61: {  	[tilespmem:s3], [sflag:$0x8] =	stream.linear.gather [hbm4b:s19+s1], $0x80, $0x38;
	[tilespmem:$0x18E68] =	vst v63  }
0x62: {  	s21 =	rddreg [dreg:$0x8]  }
0x63: {  	[tilespmem:s22], [sflag:$0x3] =	stream.linear.gather [hbm4b:s21+s1], $0x4000, $0x38;
	[tilespmem:$0x18E68] =	vst v63  }
0x64: {  	s4 =	simm.s32 $0x18100;
	s22 =	rddreg [dreg:$0x15]  }
0x65: {  	[tilespmem:s4], [sflag:$0x9] =	stream.linear.gather [hbm4b:s22+s1], $0x80, $0x38;
	[tilespmem:$0x18E68] =	vst v63  }
0x66: {  	s23 =	rddreg [dreg:$0x9]  }
0x67: {  	[tilespmem:s9], [sflag:$0x4] =	stream.linear.gather [hbm4b:s23+s1], $0x4000, $0x38;
	[tilespmem:$0x18E68] =	vst v63  }
0x68: {  	s30 =	simm.s32 $0x18180;
	s28 =	rddreg [dreg:$0x16]  }
0x69: {  	[tilespmem:s30], [sflag:$0xA] =	stream.linear.gather [hbm4b:s28+s1], $0x80, $0x38;
	[tilespmem:$0x18E68] =	vst v63  }
0x6a: {  	s4 =	rddreg [dreg:$0xa]  }
0x6b: {  	[tilespmem:s10], [sflag:$0x5] =	stream.linear.gather [hbm4b:s4+s1], $0x4000, $0x38;
	[tilespmem:$0x18E68] =	vst v63  }
0x6c: {  	s7 =	rddreg [dreg:$0x17];
	s9 =	simm.s32 $0x18200  }
0x6d: {  	[tilespmem:s9], [sflag:$0xB] =	stream.linear.gather [hbm4b:s7+s1], $0x80, $0x38;
	[tilespmem:$0x18E68] =	vst v63  }
0x6e: {  	s10 =	rddreg [dreg:$0xb]  }
0x6f: {  	[tilespmem:s13], [sflag:$0x6] =	stream.linear.gather [hbm4b:s10+s1], $0x4000, $0x38;
	[tilespmem:$0x18E68] =	vst v63  }
0x70: {  	s19 =	rddreg [dreg:$0x18];
	s21 =	simm.s32 $0x18280;
	s22 =	simm.s32 $0x1  }
0x71: {  	[tilespmem:s21], [sflag:$0xC] =	stream.linear.gather [hbm4b:s19+s1], $0x80, $0x38;
	[tilespmem:$0x18E68] =	vst v63  }
0x72: {  	_ =	swait.ge [sflag:s22], $0x4000  }
0x73: {  	[sflag:s22] =	ssyncset.done $0x0  }
0x74: {  	s23 =	simm.s32 $0x7;
	[sflag:s22] =	ssyncadd.s32 $0xFFFFC000  }
0x75: {  	_ =	swait.ge [sflag:s23], $0x80  }
0x76: {  	[sflag:s23] =	ssyncset.done $0x0  }
0x77: {  	s28 =	simm.s32 $0x2;
	[sflag:s23] =	ssyncadd.s32 $0xFFFFFF80  }
0x78: {  	[tilespmem:s1], [sflag:$0xD] =	stream.indirect.gather.add.f32 [spmem:s14], $0x80, s2, s25, $0xb8;
	[tilespmem:$0x18E68] =	vst v63  }
0x79: {  	_ =	swait.ge [sflag:s28], $0x4000  }
0x7a: {  	[sflag:s28] =	ssyncset.done $0x0  }
0x7b: {  	s30 =	simm.s32 $0x8;
	[sflag:s28] =	ssyncadd.s32 $0xFFFFC000  }
0x7c: {  	_ =	swait.ge [sflag:s30], $0x80  }
0x7d: {  	s2 =	sld [smem:$0x7FD]  }
0x7e: {  	s7 =	sld [smem:$0x7FC]  }
0x7f: {  	s4 =	rddreg [dreg:$0x1f]  }
0x80: {  	[sflag:s30] =	ssyncset.done $0x0;
	s21 =	rddreg [dreg:$0x1e]  }
0x81: {  	s19 =	rddreg [dreg:$0x1d];
	[sflag:s30] =	ssyncadd.s32 $0xFFFFFF80  }
0x82: {  	[tilespmem:s24], [sflag:$0xE] =	stream.indirect.gather.add.f32 [spmem:s14], $0x80, s3, s25, $0xb8;
	[tilespmem:$0x18E68] =	vst v63  }
0x83: {  	s29 =	simm.s32 $0x0;
	s10 =	simm.s32 $0x10000;
	s3 =	rddreg [dreg:$0x1c]  }
.LBB2_2:
0x84: {  	s0 =	simm.s32 $0x3  }
0x85: {  	_ =	swait.ge [sflag:s0], $0x4000  }
0x86: {  	[sflag:s0] =	ssyncset.done $0x0  }
0x87: {  	s13 =	simm.s32 $0x9;
	[sflag:s0] =	ssyncadd.s32 $0xFFFFC000  }
0x88: {  	_ =	swait.ge [sflag:s13], $0x80  }
0x89: {  	s28 =	simm.s32 $0x8000;
	[sflag:s13] =	ssyncset.done $0x0  }
0x8a: {  	s22 =	simm.s32 $0x18100;
	s23 =	simm.s32 $0xD;
	[sflag:s13] =	ssyncadd.s32 $0xFFFFFF80  }
0x8b: {  	[tilespmem:s28], [sflag:$0xF] =	stream.indirect.gather.add.f32 [spmem:s14], $0x80, s22, s25, $0xb8;
	[tilespmem:$0x18E68] =	vst v63  }
0x8c: {  	_ =	swait.ge [sflag:s23], $0x4000  }
0x8d: {  	[sflag:s23] =	ssyncset.done $0x0;
	s13 =	rddreg [dreg:$0xc]  }
0x8e: {  	p1 =	seq.s32 s29, $0x0;
	[sflag:s23] =	ssyncadd.s32 $0xFFFFC000;
	s30 =	sadd.s32 s29, s13  }
0x8f: {  	[hbm4b:s30+s1] =	stream.linear.scatter [tilespmem:s1], [sflag:$0x13], $0x4000, $0x38;
	[tilespmem:$0x18E68] =	vst v63  }
0x90: {  	s30 =	simm.s32 @!p1 $0x18  }
0x91: {  	_ =	swait.ge @!p1 [sflag:s30], $0x4000  }
0x92: {  	[sflag:s30] =	ssyncset.done @!p1 $0x0  }
0x93: {  	[sflag:s30] =	ssyncadd.s32 @!p1 $0xFFFFC000;
	s30 =	sadd.s32 @!p1 s29, s8  }
0x94: {  	s23 =	simm.s32 @!p1 $0x0;
	s13 =	simm.s32 @!p1 $0x14000;
	s30 =	sadd.s32 @!p1 $0x2800, s30  }
0x95: {  	[tilespmem:s13], [sflag:$0x6] =	stream.linear.gather @!p1 [hbm4b:s30+s23], $0x4000, $0x38;
	[tilespmem:$0x18E68] =	vst v63  }
0x96: {  	s22 =	simm.s32 $0x4;
	s13 =	simm.s32 @!p1 $0x18280  }
0x97: {  	[tilespmem:s13], [sflag:$0xC] =	stream.linear.gather @!p1 [hbm4b:s2+s23], $0x80, $0x38;
	[tilespmem:$0x18E68] =	vst v63  }
0x98: {  	_ =	swait.ge [sflag:s22], $0x4000  }
0x99: {  	[sflag:s22] =	ssyncset.done $0x0  }
0x9a: {  	s23 =	simm.s32 $0xA;
	[sflag:s22] =	ssyncadd.s32 $0xFFFFC000  }
0x9b: {  	_ =	swait.ge [sflag:s23], $0x80  }
0x9c: {  	[sflag:s23] =	ssyncset.done $0x0  }
0x9d: {  	s13 =	simm.s32 $0x18180;
	[sflag:s23] =	ssyncadd.s32 $0xFFFFFF80;
	s23 =	simm.s32 $0xC000  }
0x9e: {  	[tilespmem:s23], [sflag:$0x10] =	stream.indirect.gather.add.f32 [spmem:s14], $0x80, s13, s25, $0xb8;
	[tilespmem:$0x18E68] =	vst v63  }
0x9f: {  	_ =	swait.ge [sflag:s6], $0x4000  }
0xa0: {  	[sflag:s6] =	ssyncset.done $0x0;
	s22 =	rddreg [dreg:$0x10]  }
0xa1: {  	[sflag:s6] =	ssyncadd.s32 $0xFFFFC000;
	s0 =	sadd.s32 s29, s22  }
0xa2: {  	[hbm4b:s0+s1] =	stream.linear.scatter [tilespmem:s24], [sflag:$0x14], $0x4000, $0x38;
	[tilespmem:$0x18E68] =	vst v63  }
0xa3: {  	_ =	swait.ge [sflag:s18], $0x4000  }
0xa4: {  	s30 =	sadd.s32 s29, s8;
	[sflag:s18] =	ssyncset.done $0x0  }
0xa5: {  	s22 =	sadd.s32 $0x3000, s30;
	[sflag:s18] =	ssyncadd.s32 $0xFFFFC000  }
0xa6: {  	[tilespmem:s1], [sflag:$0x1] =	stream.linear.gather [hbm4b:s22+s1], $0x4000, $0x38;
	[tilespmem:$0x18E68] =	vst v63  }
0xa7: {  	s0 =	sshrl.u32 s7, $0x3;
	s22 =	rddreg [dreg:$0x12]  }
0xa8: {  	s13 =	sadd.s32 s22, s0  }
0xa9: {  	[tilespmem:s26], [sflag:$0x7] =	stream.linear.gather [hbm4b:s13+s1], $0x80, $0x38;
	[tilespmem:$0x18E68] =	vst v63  }
0xaa: {  	s13 =	simm.s32 $0x5  }
0xab: {  	_ =	swait.ge [sflag:s13], $0x4000  }
0xac: {  	[sflag:s13] =	ssyncset.done $0x0  }
0xad: {  	s22 =	simm.s32 $0xB;
	[sflag:s13] =	ssyncadd.s32 $0xFFFFC000  }
0xae: {  	_ =	swait.ge [sflag:s22], $0x80  }
0xaf: {  	[sflag:s22] =	ssyncset.done $0x0  }
0xb0: {  	s13 =	simm.s32 $0xF;
	[sflag:s22] =	ssyncadd.s32 $0xFFFFFF80  }
0xb1: {  	[tilespmem:s10], [sflag:$0x11] =	stream.indirect.gather.add.f32 [spmem:s14], $0x80, s9, s25, $0xb8;
	[tilespmem:$0x18E68] =	vst v63  }
0xb2: {  	_ =	swait.ge [sflag:s13], $0x4000  }
0xb3: {  	[sflag:s13] =	ssyncset.done $0x0;
	s22 =	rddreg [dreg:$0xf]  }
0xb4: {  	[sflag:s13] =	ssyncadd.s32 $0xFFFFC000;
	s9 =	sadd.s32 s29, s22  }
0xb5: {  	[hbm4b:s9+s1] =	stream.linear.scatter [tilespmem:s28], [sflag:$0x15], $0x4000, $0x38;
	[tilespmem:$0x18E68] =	vst v63  }
0xb6: {  	_ =	swait.ge [sflag:s11], $0x4000  }
0xb7: {  	[sflag:s11] =	ssyncset.done $0x0  }
0xb8: {  	s0 =	sadd.s32 $0x3800, s30;
	[sflag:s11] =	ssyncadd.s32 $0xFFFFC000  }
0xb9: {  	[tilespmem:s24], [sflag:$0x2] =	stream.linear.gather [hbm4b:s0+s1], $0x4000, $0x38;
	[tilespmem:$0x18E68] =	vst v63  }
0xba: {  	s28 =	simm.s32 $0x18080;
	s9 =	simm.s32 $0x6  }
0xbb: {  	[tilespmem:s28], [sflag:$0x8] =	stream.linear.gather [hbm4b:s4+s1], $0x80, $0x38;
	[tilespmem:$0x18E68] =	vst v63  }
0xbc: {  	_ =	swait.ge [sflag:s9], $0x4000  }
0xbd: {  	[sflag:s9] =	ssyncset.done $0x0  }
0xbe: {  	[sflag:s9] =	ssyncadd.s32 $0xFFFFC000  }
0xbf: {  	_ =	swait.ge [sflag:s15], $0x80  }
0xc0: {  	[sflag:s15] =	ssyncset.done $0x0  }
0xc1: {  	s13 =	simm.s32 $0x18280;
	[sflag:s15] =	ssyncadd.s32 $0xFFFFFF80  }
0xc2: {  	[tilespmem:s12], [sflag:$0x12] =	stream.indirect.gather.add.f32 [spmem:s14], $0x80, s13, s25, $0xb8;
	[tilespmem:$0x18E68] =	vst v63  }
0xc3: {  	_ =	swait.ge [sflag:s16], $0x4000  }
0xc4: {  	p1 =	seq.s32 s29, $0x15000;
	[sflag:s16] =	ssyncset.done $0x0;
	s24 =	rddreg [dreg:$0xe]  }
0xc5: {  	s13 =	simm.s32 @!p1 $0x15;
	[sflag:s16] =	ssyncadd.s32 $0xFFFFC000;
	s0 =	sadd.s32 s29, s24  }
0xc6: {  	[hbm4b:s0+s1] =	stream.linear.scatter [tilespmem:s23], [sflag:$0x16], $0x4000, $0x38;
	[tilespmem:$0x18E68] =	vst v63  }
0xc7: {  	_ =	swait.ge @!p1 [sflag:s13], $0x4000  }
0xc8: {  	[sflag:s13] =	ssyncset.done @!p1 $0x0  }
0xc9: {  	[sflag:s13] =	ssyncadd.s32 @!p1 $0xFFFFC000;
	s13 =	sadd.s32 @!p1 s29, s8  }
0xca: {  	s24 =	simm.s32 @!p1 $0x0;
	s0 =	simm.s32 @!p1 $0x8000;
	s23 =	sadd.s32 @!p1 $0x4000, s13  }
0xcb: {  	[tilespmem:s0], [sflag:$0x3] =	stream.linear.gather @!p1 [hbm4b:s23+s24], $0x4000, $0x38;
	[tilespmem:$0x18E68] =	vst v63  }
0xcc: {  	s0 =	simm.s32 @!p1 $0x18100;
	s23 =	simm.s32 $0x1  }
0xcd: {  	[tilespmem:s0], [sflag:$0x9] =	stream.linear.gather @!p1 [hbm4b:s21+s24], $0x80, $0x38;
	[tilespmem:$0x18E68] =	vst v63  }
0xce: {  	_ =	swait.ge [sflag:s23], $0x4000  }
0xcf: {  	[sflag:s23] =	ssyncset.done $0x0  }
0xd0: {  	[sflag:s23] =	ssyncadd.s32 $0xFFFFC000;
	s23 =	simm.s32 $0x7  }
0xd1: {  	_ =	swait.ge [sflag:s23], $0x80  }
0xd2: {  	[sflag:s23] =	ssyncset.done $0x0  }
0xd3: {  	[sflag:s23] =	ssyncadd.s32 $0xFFFFFF80  }
0xd4: {  	[tilespmem:s1], [sflag:$0xD] =	stream.indirect.gather.add.f32 [spmem:s14], $0x80, s26, s25, $0xb8;
	[tilespmem:$0x18E68] =	vst v63  }
0xd5: {  	_ =	swait.ge [sflag:s17], $0x4000  }
0xd6: {  	[sflag:s17] =	ssyncset.done $0x0;
	s23 =	rddreg [dreg:$0xd]  }
0xd7: {  	[sflag:s17] =	ssyncadd.s32 $0xFFFFC000;
	s0 =	sadd.s32 s29, s23  }
0xd8: {  	[hbm4b:s0+s1] =	stream.linear.scatter [tilespmem:s10], [sflag:$0x17], $0x4000, $0x38;
	[tilespmem:$0x18E68] =	vst v63  }
0xd9: {  	s0 =	simm.s32 @!p1 $0x16  }
0xda: {  	_ =	swait.ge @!p1 [sflag:s0], $0x4000  }
0xdb: {  	[sflag:s0] =	ssyncset.done @!p1 $0x0  }
0xdc: {  	[sflag:s0] =	ssyncadd.s32 @!p1 $0xFFFFC000;
	s0 =	sadd.s32 @!p1 $0x4800, s13;
	s13 =	simm.s32 @!p1 $0xC000  }
0xdd: {  	[tilespmem:s13], [sflag:$0x4] =	stream.linear.gather @!p1 [hbm4b:s0+s24], $0x4000, $0x38;
	[tilespmem:$0x18E68] =	vst v63  }
0xde: {  	s0 =	simm.s32 @!p1 $0x18180;
	s13 =	simm.s32 $0x2  }
0xdf: {  	[tilespmem:s0], [sflag:$0xA] =	stream.linear.gather @!p1 [hbm4b:s19+s24], $0x80, $0x38;
	[tilespmem:$0x18E68] =	vst v63  }
0xe0: {  	_ =	swait.ge [sflag:s13], $0x4000  }
0xe1: {  	[sflag:s13] =	ssyncset.done $0x0  }
0xe2: {  	s23 =	simm.s32 $0x8;
	[sflag:s13] =	ssyncadd.s32 $0xFFFFC000  }
0xe3: {  	_ =	swait.ge [sflag:s23], $0x80  }
0xe4: {  	[sflag:s23] =	ssyncset.done $0x0  }
0xe5: {  	s24 =	simm.s32 $0x4000;
	[sflag:s23] =	ssyncadd.s32 $0xFFFFFF80  }
0xe6: {  	[tilespmem:s24], [sflag:$0xE] =	stream.indirect.gather.add.f32 [spmem:s14], $0x80, s28, s25, $0xb8;
	[tilespmem:$0x18E68] =	vst v63  }
.Ltmp2:
0xe7: {  	_ = 	snop;
	(pc) =	sbr.rel @p1 .LBB2_4-.Ltmp2, $4  }
0xe8: {  	s22 =	simm.s32 $0x8000;
	s9 =	simm.s32 $0xC000;
	_ =	swait.ge [sflag:s5], $0x4000  }
0xe9: {  	s10 =	simm.s32 $0x10000;
	[sflag:s5] =	ssyncset.done $0x0;
	s28 =	rddreg [dreg:$0x11]  }
0xea: {  	s13 =	simm.s32 $0x14000;
	[sflag:s5] =	ssyncadd.s32 $0xFFFFC000;
	s0 =	sadd.s32 s29, s28  }
0xeb: {  	[hbm4b:s0+s1] =	stream.linear.scatter [tilespmem:s12], [sflag:$0x18], $0x4000, $0x38;
	[tilespmem:$0x18E68] =	vst v63  }
0xec: {  	_ =	swait.ge [sflag:s20], $0x4000;
	s0 =	sadd.s32 $0x5000, s30  }
0xed: {  	s29 =	sadd.s32 $0x3000, s29;
	s19 =	sadd.s32 $0x60, s19;
	[sflag:s20] =	ssyncset.done $0x0  }
.Ltmp3:
0xee: {  	s21 =	sadd.s32 $0x60, s21;
	[sflag:s20] =	ssyncadd.s32 $0xFFFFC000;
	(pc) =	sbr.rel .LBB2_2-.Ltmp3, $4  }
0xef: {  	[tilespmem:s10], [sflag:$0x5] =	stream.linear.gather [hbm4b:s0+s1], $0x4000, $0x38;
	[tilespmem:$0x18E68] =	vst v63  }
0xf0: {  	s4 =	sadd.s32 $0x60, s4;
	s7 =	sadd.s32 $0x300, s7;
	s2 =	sadd.s32 $0x60, s2  }
0xf1: {  	[tilespmem:s31], [sflag:$0xB] =	stream.linear.gather [hbm4b:s3+s1], $0x80, $0x38;
	[tilespmem:$0x18E68] =	vst v63  }
0xf2: {  	s9 =	simm.s32 $0x18200;
	s10 =	simm.s32 $0x10000;
	s3 =	sadd.s32 $0x60, s3  }
.LBB2_5:
0xf3: {  	_ =	sfence.sel $0x180000  }
0xf4: {  	[bflag:$0x0] =	sbarrier.arrive $0xFFFF  }
0xf5: {  	_ =	strace $0x90000047  }
0xf6: {  	[bflag:$0x2] =	sbarrier.arrive $0xFFFF  }
0xf7: {  	s0 =	rddreg [dreg:$0x5]  }
0xf8: {  	s0 =	sadd.s32 @!p0 $0x100000, s0  }
0xf9: {  	[sflag:s0] =	ssyncadd.tile.s32 @!p0 $0x1;
	_ =	shalt  }
.Lfunc_end2:
_tile_overlayer_lowered:
.L_overlay_start_2:
0xfa: {  	(tag) =	ssettag $0x2  }
0xfb: {  	s0 =	rddreg [dreg:$0x0];
	s2 =	stileid.u32  }
0xfc: {  	s1 =	rddreg [dreg:$0x1];
	p0 =	sne.s32 s2, $0x0  }
0xfd: {  	s3 =	rddreg [dreg:$0x2];
	[bflag:$0x3] =	sbarrier.arrive $0xFFFF;
	s2 =	simm.s32 @!p0 $0x1C1A  }
0xfe: {  	[timem:s3], [sflag:s2] =	dma.local @!p0 [hbm:s0], s1  }
0xff: {  	s0 =	simm.s32 @!p0 $0x1A  }
0x100: {  	_ =	swait.ge @!p0 [sflag:s0], s1  }
0x101: {  	s1 =	ssub.s32 @!p0 $0x0, s1;
	[sflag:s0] =	ssyncset.done @!p0 $0x0  }
0x102: {  	[sflag:s0] =	ssyncadd.s32 @!p0 s1  }
0x103: {  	[bflag:$0x3] =	sbarrier.arrive $0xFFFF  }
0x104: {  	_ =	shalt  }

</sc_bundles>
